<compile_context>
chip_gen: v7x
topology: tpu7x:2x2x1
jax: 0.10.2.dev20260603
libtpu: 0.0.44.dev20260713+nightly
codegen_flags: <defaults>
</compile_context>

<pallas_src>
import functools

import jax
import jax.numpy as jnp
from jax import lax
from jax.experimental import pallas as pl
from jax.experimental.pallas import tpu as pltpu
from jax.experimental.pallas import tpu_sc as plsc

_T = 8192
_D = 256
_H = 512
_BLK = 1024

_NC, _NS = 2, 16
_NW = _NC * _NS
_PERW = _T // _NW
_CH = 128
_NCH = _PERW // _CH


def _pack_bf16_pairs(x):
    xb = x.astype(jnp.bfloat16)
    h = x.shape[1] // 2
    lo = jax.lax.bitcast_convert_type(xb[:, :h], jnp.uint16).astype(jnp.int32)
    hi = jax.lax.bitcast_convert_type(xb[:, h:], jnp.uint16).astype(jnp.int32)
    return lo | (hi << 16)


def _unpack_pairs(x):
    lo = jax.lax.bitcast_convert_type(x << 16, jnp.float32)
    hi = jax.lax.bitcast_convert_type(x & jnp.int32(-65536), jnp.float32)
    return jnp.concatenate([lo, hi], axis=1)


_NB = 4


def _sc_gather_scatter4(op_emb, machine_emb, agv_emb, idxmat, pos):
    mesh = plsc.VectorSubcoreMesh(core_axis_name="c", subcore_axis_name="s")

    @functools.partial(
        pl.kernel, mesh=mesh,
        out_type=(jax.ShapeDtypeStruct((_T, _D // 2), jnp.int32),) * 4,
        scratch_types=[
            pltpu.VMEM((4, _PERW), jnp.int32),
            pltpu.VMEM((_CH,), jnp.int32),
            pltpu.VMEM((_CH,), jnp.int32),
        ] + [pltpu.VMEM((_CH, _D // 2), jnp.int32)] * _NB
          + [pltpu.SemaphoreType.DMA] * (2 * _NB),
    )
    def k(op_t, mach_t, agv_t, idxm_h, pos_h,
          oa, om, of_, ot,
          idxm_v, pos0, pos1, *bufs_and_sems):
        rowsb = bufs_and_sems[:_NB]
        sg = bufs_and_sems[_NB:2 * _NB]
        ss = bufs_and_sems[2 * _NB:3 * _NB]
        wid = lax.axis_index("s") * _NC + lax.axis_index("c")
        base = wid * _PERW
        posb = (pos0, pos1)
        pltpu.sync_copy(idxm_h.at[:, pl.ds(base, _PERW)], idxm_v)
        for c in range(_NCH):
            pltpu.sync_copy(pos_h.at[pl.ds(base + c * _CH, _CH)], posb[c])
        tabs = (agv_t, mach_t, op_t, op_t)
        outs = (oa, om, of_, ot)
        steps = [(c, f) for c in range(_NCH) for f in range(4)]
        n = len(steps)
        pend_g = [None] * _NB
        pend_s = [None] * _NB

        def start_gather(s):
            c, f = steps[s]
            b = s % _NB
            pend_g[b] = pltpu.async_copy(
                tabs[f].at[idxm_v.at[f, pl.ds(c * _CH, _CH)]], rowsb[b], sg[b])

        for s in range(min(3, n)):
            start_gather(s)
        for s in range(n):
            c, f = steps[s]
            b = s % _NB
            pend_g[b].wait()
            pend_s[b] = pltpu.async_copy(rowsb[b], outs[f].at[posb[c]], ss[b])
            ns = s + 3
            if ns < n:
                nb = ns % _NB
                if pend_s[nb] is not None:
                    pend_s[nb].wait()
                    pend_s[nb] = None
                start_gather(ns)
        for b in range(_NB):
            if pend_s[b] is not None:
                pend_s[b].wait()

    return k(op_emb, machine_emb, agv_emb, idxmat, pos)


def _sc_gather_rows(table, idx):
    mesh = plsc.VectorSubcoreMesh(core_axis_name="c", subcore_axis_name="s")

    @functools.partial(
        pl.kernel, mesh=mesh,
        out_type=jax.ShapeDtypeStruct((_T, _D), jnp.float32),
        scratch_types=[
            pltpu.VMEM((_PERW,), jnp.int32),
            pltpu.VMEM((_CH, _D), jnp.float32),
            pltpu.VMEM((_CH, _D), jnp.float32),
            pltpu.SemaphoreType.DMA,
            pltpu.SemaphoreType.DMA,
            pltpu.SemaphoreType.DMA,
            pltpu.SemaphoreType.DMA,
        ],
    )
    def k(tab, ih, oh, idx_v, r0, r1, sg0, sg1, sw0, sw1):
        wid = lax.axis_index("s") * _NC + lax.axis_index("c")
        base = wid * _PERW
        pltpu.sync_copy(ih.at[pl.ds(base, _PERW)], idx_v)
        g0 = pltpu.async_copy(tab.at[idx_v.at[pl.ds(0, _CH)]], r0, sg0)
        g1 = pltpu.async_copy(tab.at[idx_v.at[pl.ds(_CH, _CH)]], r1, sg1)
        g0.wait()
        w0 = pltpu.async_copy(r0, oh.at[pl.ds(base, _CH), :], sw0)
        g1.wait()
        w1 = pltpu.async_copy(r1, oh.at[pl.ds(base + _CH, _CH), :], sw1)
        w0.wait()
        w1.wait()

    return k(table, idx)


def _mlp_body(bnd_ref, a_ref, m_ref, f_ref, t_ref,
              pwa, pwf, pwt, pwm, pb1, pw2, pb2,
              twa, twm, tb1, tw2, tb2,
              mwa, mwm, mb1, mw2, mb2, wait_ref, o_ref):
    start = pl.program_id(0) * _BLK
    end = start + _BLK
    b1, b2, b3 = bnd_ref[0], bnd_ref[1], bnd_ref[2]
    rows = start + lax.broadcasted_iota(jnp.int32, (_BLK, 1), 0)
    o_ref[...] = jnp.broadcast_to(wait_ref[...], (_BLK, _D))

    def leaky(x):
        return jnp.where(x >= 0, x, 0.01 * x)

    def dot(x, w):
        return jnp.dot(x, w, preferred_element_type=jnp.float32)

    @pl.when((b1 < end) & (b2 > start) & (b2 > b1))
    def _pick():
        h = leaky(dot(_unpack_pairs(a_ref[...]), pwa[...])
                  + dot(_unpack_pairs(f_ref[...]), pwf[...])
                  + dot(_unpack_pairs(t_ref[...]), pwt[...])
                  + dot(_unpack_pairs(m_ref[...]), pwm[...])
                  + pb1[...])
        out = dot(h, pw2[...]) + pb2[...]
        mask = (rows >= b1) & (rows < b2)
        o_ref[...] = jnp.where(mask, out, o_ref[...])

    @pl.when((b2 < end) & (b3 > start) & (b3 > b2))
    def _tr():
        h = leaky(dot(_unpack_pairs(a_ref[...]), twa[...])
                  + dot(_unpack_pairs(m_ref[...]), twm[...])
                  + tb1[...])
        out = dot(h, tw2[...]) + tb2[...]
        mask = (rows >= b2) & (rows < b3)
        o_ref[...] = jnp.where(mask, out, o_ref[...])

    @pl.when(b3 < end)
    def _mv():
        h = leaky(dot(_unpack_pairs(a_ref[...]), mwa[...])
                  + dot(_unpack_pairs(m_ref[...]), mwm[...])
                  + mb1[...])
        out = dot(h, mw2[...]) + mb2[...]
        mask = rows >= b3
        o_ref[...] = jnp.where(mask, out, o_ref[...])


def _tc_stage(bnd, A, M, F, Tt, pW1, pb1, pW2, pb2,
              tW1, tb1, tW2, tb2, mW1, mb1, mW2, mb2, wait_emb):
    nblk = _T // _BLK

    def am_map(i, b):
        lo = b[0] // _BLK
        return (jnp.minimum(jnp.maximum(i, lo), nblk - 1), 0)

    def ft_map(i, b):
        lo = b[0] // _BLK
        hi = jnp.maximum(lo, jnp.maximum(b[0], b[1] - 1) // _BLK)
        return (jnp.minimum(jnp.clip(i, lo, hi), nblk - 1), 0)

    w1_blk = lambda j: pl.BlockSpec((_D, _H), lambda i, b, j=j: (j, 0))
    full = lambda r, c: pl.BlockSpec((r, c), lambda i, b: (0, 0))
    in_specs = [
        pl.BlockSpec((_BLK, _D // 2), am_map),
        pl.BlockSpec((_BLK, _D // 2), am_map),
        pl.BlockSpec((_BLK, _D // 2), ft_map),
        pl.BlockSpec((_BLK, _D // 2), ft_map),
        w1_blk(0), w1_blk(1), w1_blk(2), w1_blk(3),
        full(1, _H), full(_H, _D), full(1, _D),
        w1_blk(0), w1_blk(1),
        full(1, _H), full(_H, _D), full(1, _D),
        w1_blk(0), w1_blk(1),
        full(1, _H), full(_H, _D), full(1, _D),
        full(1, _D),
    ]
    grid_spec = pltpu.PrefetchScalarGridSpec(
        num_scalar_prefetch=1,
        grid=(nblk,),
        in_specs=in_specs,
        out_specs=pl.BlockSpec((_BLK, _D), lambda i, b: (i, 0)),
    )
    return pl.pallas_call(
        _mlp_body,
        grid_spec=grid_spec,
        out_shape=jax.ShapeDtypeStruct((_T, _D), jnp.float32),
    )(bnd, A, M, F, Tt,
      pW1, pW1, pW1, pW1, pb1.reshape(1, _H), pW2, pb2.reshape(1, _D),
      tW1, tW1, tb1.reshape(1, _H), tW2, tb2.reshape(1, _D),
      mW1, mW1, mb1.reshape(1, _H), mW2, mb2.reshape(1, _D),
      wait_emb.reshape(1, _D))


def _plan(action_type):
    at = action_type.astype(jnp.int32)
    is1, is2, is3 = (at == 1), (at == 2), (at == 3)
    cs = jnp.cumsum(jnp.stack(
        [is1.astype(jnp.int32) + (is2.astype(jnp.int32) << 14),
         is3.astype(jnp.int32)]), axis=1)
    cs12, cs3 = cs[0], cs[1]
    c1 = cs12 & 0x3FFF
    c2 = cs12 >> 14
    c3 = cs3
    t1 = jnp.arange(1, _T + 1, dtype=jnp.int32)
    c0 = t1 - c1 - c2 - c3
    n0, n1, n2 = c0[-1], c1[-1], c2[-1]
    b1 = n0
    b2 = n0 + n1
    b3 = n0 + n1 + n2
    bnd = jnp.stack([b1, b2, b3]).astype(jnp.int32)
    rank = (jnp.where(is1, c1, 0) + jnp.where(is2, c2, 0)
            + jnp.where(is3, c3, 0)
            + jnp.where(at == 0, c0, 0)) - 1
    group_start = (jnp.where(is1, b1, 0) + jnp.where(is2, b2, 0)
                   + jnp.where(is3, b3, 0))
    pos = (group_start + rank).astype(jnp.int32)
    return pos, bnd


def kernel(op_emb, machine_emb, agv_emb, action_type, agv_idx, op_from_idx,
           op_to_idx, machine_idx, wait_emb, pick_W1, pick_b1, pick_W2,
           pick_b2, tr_W1, tr_b1, tr_W2, tr_b2, mv_W1, mv_b1, mv_W2, mv_b2):
    pos, bnd = _plan(action_type)
    idxmat = jnp.stack([agv_idx.astype(jnp.int32),
                        machine_idx.astype(jnp.int32),
                        op_from_idx.astype(jnp.int32),
                        op_to_idx.astype(jnp.int32)])
    A, M, F, Tt = _sc_gather_scatter4(
        _pack_bf16_pairs(op_emb), _pack_bf16_pairs(machine_emb),
        _pack_bf16_pairs(agv_emb), idxmat, pos)
    out_sorted = _tc_stage(bnd, A, M, F, Tt, pick_W1, pick_b1, pick_W2,
                           pick_b2, tr_W1, tr_b1, tr_W2, tr_b2,
                           mv_W1, mv_b1, mv_W2, mv_b2, wait_emb)
    return _sc_gather_rows(out_sorted, pos)

# --- scband reference (transcript-rebuilt; emitter-appended) ---
"""Pipeline reference for scband-action-encoder-20839181320498 (READ-ONLY COPY).

The authoritative reference and input builder live on the scoring server;
editing this copy changes nothing except your own understanding.
"""

import jax, jax.numpy as jnp
import numpy as np

OUT = 256
D_OP, D_MACH, D_AGV = 256, 256, 256
T = 8192
N_OP, N_MACH, N_AGV = 10000, 2000, 500

def _mlp_params(key, d_in, d_out):
    k1, k2 = jax.random.split(key)
    W1 = jax.random.normal(k1, (d_in, 2 * d_out), jnp.float32) * 0.02
    b1 = jnp.zeros((2 * d_out,), jnp.float32)
    W2 = jax.random.normal(k2, (2 * d_out, d_out), jnp.float32) * 0.02
    b2 = jnp.zeros((d_out,), jnp.float32)
    return W1, b1, W2, b2

def setup_inputs(seed: int = 0) -> dict:
    key = jax.random.key(seed)
    ks = jax.random.split(key, 12)
    inp = {}
    inp['op_emb'] = jax.random.normal(ks[0], (N_OP, D_OP), jnp.float32)
    inp['machine_emb'] = jax.random.normal(ks[1], (N_MACH, D_MACH), jnp.float32)
    inp['agv_emb'] = jax.random.normal(ks[2], (N_AGV, D_AGV), jnp.float32)
    inp['action_type'] = jax.random.randint(ks[3], (T,), 0, 4)
    inp['agv_idx'] = jax.random.randint(ks[4], (T,), 0, N_AGV)
    inp['op_from_idx'] = jax.random.randint(ks[5], (T,), 0, N_OP)
    inp['op_to_idx'] = jax.random.randint(ks[6], (T,), 0, N_OP)
    inp['machine_idx'] = jax.random.randint(ks[7], (T,), 0, N_MACH)
    inp['wait_emb'] = jnp.zeros((OUT,), jnp.float32)
    pW1, pb1, pW2, pb2 = _mlp_params(ks[8], D_AGV + D_OP + D_OP + D_MACH, OUT)
    inp['pick_W1'], inp['pick_b1'], inp['pick_W2'], inp['pick_b2'] = pW1, pb1, pW2, pb2
    tW1, tb1, tW2, tb2 = _mlp_params(ks[9], D_AGV + D_MACH, OUT)
    inp['tr_W1'], inp['tr_b1'], inp['tr_W2'], inp['tr_b2'] = tW1, tb1, tW2, tb2
    mW1, mb1, mW2, mb2 = _mlp_params(ks[10], D_AGV + D_MACH, OUT)
    inp['mv_W1'], inp['mv_b1'], inp['mv_W2'], inp['mv_b2'] = mW1, mb1, mW2, mb2
    return inp

def _mlp(x, W1, b1, W2, b2):
    h = jax.nn.leaky_relu(x @ W1 + b1, negative_slope=0.01)
    return h @ W2 + b2

def reference(op_emb, machine_emb, agv_emb, action_type, agv_idx, op_from_idx, op_to_idx, machine_idx,
              wait_emb, pick_W1, pick_b1, pick_W2, pick_b2,
              tr_W1, tr_b1, tr_W2, tr_b2, mv_W1, mv_b1, mv_W2, mv_b2):
    # Gather node embeddings per action (vectorized version of the per-action loop)
    agv = jnp.take(agv_emb, agv_idx, axis=0)
    opf = jnp.take(op_emb, op_from_idx, axis=0)
    opt = jnp.take(op_emb, op_to_idx, axis=0)
    mach = jnp.take(machine_emb, machine_idx, axis=0)
    pick_in = jnp.concatenate([agv, opf, opt, mach], axis=-1)
    pick_out = _mlp(pick_in, pick_W1, pick_b1, pick_W2, pick_b2)
    tm_in = jnp.concatenate([agv, mach], axis=-1)
    tr_out = _mlp(tm_in, tr_W1, tr_b1, tr_W2, tr_b2)
    mv_out = _mlp(tm_in, mv_W1, mv_b1, mv_W2, mv_b2)
    at = action_type[:, None]
    wait = jnp.broadcast_to(wait_emb[None, :], pick_out.shape)
    out = jnp.where(at == 0, wait, jnp.where(at == 1, pick_out, jnp.where(at == 2, tr_out, mv_out)))
    return out

if __name__ == "__main__":
    import jax
    _d = setup_inputs()
    print(jax.jit(kernel)(*tuple(_d.values())))

</pallas_src>

<mosaic_0001>
#map = affine_map<(d0, d1) -> (0, 0)>
#map1 = affine_map<(d0, d1) -> (0)>
module attributes {stable_mosaic.version = 14 : i64} {
  func.func @k(%arg0: i32, %arg1: i32, %arg2: memref<10000x128xi32, #tpu.memory_space<hbm>>, %arg3: memref<2000x128xi32, #tpu.memory_space<hbm>>, %arg4: memref<500x128xi32, #tpu.memory_space<hbm>>, %arg5: memref<4x8192xi32, #tpu.memory_space<hbm>>, %arg6: memref<8192xi32, #tpu.memory_space<hbm>>, %arg7: memref<8192x128xi32, #tpu.memory_space<hbm>>, %arg8: memref<8192x128xi32, #tpu.memory_space<hbm>>, %arg9: memref<8192x128xi32, #tpu.memory_space<hbm>>, %arg10: memref<8192x128xi32, #tpu.memory_space<hbm>>, %arg11: memref<4x256xi32, #tpu.memory_space<vmem>>, %arg12: memref<128xi32, #tpu.memory_space<vmem>>, %arg13: memref<128xi32, #tpu.memory_space<vmem>>, %arg14: memref<128x128xi32, #tpu.memory_space<vmem>>, %arg15: memref<128x128xi32, #tpu.memory_space<vmem>>, %arg16: memref<128x128xi32, #tpu.memory_space<vmem>>, %arg17: memref<128x128xi32, #tpu.memory_space<vmem>>, %arg18: memref<!tpu.dma_semaphore, #tpu.memory_space<semaphore_mem>>, %arg19: memref<!tpu.dma_semaphore, #tpu.memory_space<semaphore_mem>>, %arg20: memref<!tpu.dma_semaphore, #tpu.memory_space<semaphore_mem>>, %arg21: memref<!tpu.dma_semaphore, #tpu.memory_space<semaphore_mem>>, %arg22: memref<!tpu.dma_semaphore, #tpu.memory_space<semaphore_mem>>, %arg23: memref<!tpu.dma_semaphore, #tpu.memory_space<semaphore_mem>>, %arg24: memref<!tpu.dma_semaphore, #tpu.memory_space<semaphore_mem>>, %arg25: memref<!tpu.dma_semaphore, #tpu.memory_space<semaphore_mem>>) attributes {dimension_semantics = [#tpu.dimension_semantics<core_parallel>, #tpu.dimension_semantics<subcore_parallel>], iteration_bounds = array<i64: 2, 16>, scalar_prefetch = 0 : i64, scratch_operands = 15 : i64, tpu.core_type = #tpu.core_type<sc_vector_subcore>, window_params = [{transform_indices = #map}, {transform_indices = #map}, {transform_indices = #map}, {transform_indices = #map}, {transform_indices = #map1}, {transform_indices = #map}, {transform_indices = #map}, {transform_indices = #map}, {transform_indices = #map}]} {
    %mul3A = arith.constant 2 : i32
    %mul3A_0 = arith.muli %arg1, %mul3A : i32
    %add3A = arith.addi %mul3A_0, %arg0 : i32
    %mul3A_1 = arith.constant 256 : i32
    %mul3A_2 = arith.muli %add3A, %mul3A_1 : i32
    "tpu.region"() ({
      %run_scoped3A = tpu.sem_alloc : memref<!tpu.dma_semaphore, #tpu.memory_space<semaphore_mem>>
      %dma_start3A_165 = arith.constant 0 : i32
      %dma_start3A_166 = tpu.memref_slice %arg5[%dma_start3A_165, %mul3A_2] : memref<4x8192xi32, #tpu.memory_space<hbm>> -> memref<4x256xi32, #tpu.memory_space<hbm>>
      %dma_start3A_167 = arith.constant 0 : i32
      %dma_start3A_168 = tpu.memref_slice %arg5[%dma_start3A_167, %mul3A_2] : memref<4x8192xi32, #tpu.memory_space<hbm>> -> memref<4x256xi32, #tpu.memory_space<hbm>>
      tpu.enqueue_dma source(%dma_start3A_168 : memref<4x256xi32, #tpu.memory_space<hbm>>) target(%arg11 : memref<4x256xi32, #tpu.memory_space<vmem>>) target_semaphore(%run_scoped3A : memref<!tpu.dma_semaphore, #tpu.memory_space<semaphore_mem>>)
      %dma_wait3A_169 = arith.constant 0 : i32
      %dma_wait3A_170 = tpu.memref_slice %arg5[%dma_wait3A_169, %mul3A_2] : memref<4x8192xi32, #tpu.memory_space<hbm>> -> memref<4x256xi32, #tpu.memory_space<hbm>>
      %dma_wait3A_171 = arith.constant 0 : i32
      %dma_wait3A_172 = tpu.memref_slice %arg5[%dma_wait3A_171, %mul3A_2] : memref<4x8192xi32, #tpu.memory_space<hbm>> -> memref<4x256xi32, #tpu.memory_space<hbm>>
      tpu.wait_dma2 semaphore(%run_scoped3A : memref<!tpu.dma_semaphore, #tpu.memory_space<semaphore_mem>>) src(%dma_wait3A_172 : memref<4x256xi32, #tpu.memory_space<hbm>>) dst(%arg11 : memref<4x256xi32, #tpu.memory_space<vmem>>)
      tpu.yield
    }) : () -> ()
    %add3A_3 = arith.constant 0 : i32
    %add3A_4 = arith.addi %mul3A_2, %add3A_3 : i32
    "tpu.region"() ({
      %run_scoped3A = tpu.sem_alloc : memref<!tpu.dma_semaphore, #tpu.memory_space<semaphore_mem>>
      %dma_start3A_165 = tpu.memref_slice %arg6[%add3A_4] : memref<8192xi32, #tpu.memory_space<hbm>> -> memref<128xi32, #tpu.memory_space<hbm>>
      %dma_start3A_166 = tpu.memref_slice %arg6[%add3A_4] : memref<8192xi32, #tpu.memory_space<hbm>> -> memref<128xi32, #tpu.memory_space<hbm>>
      tpu.enqueue_dma source(%dma_start3A_166 : memref<128xi32, #tpu.memory_space<hbm>>) target(%arg12 : memref<128xi32, #tpu.memory_space<vmem>>) target_semaphore(%run_scoped3A : memref<!tpu.dma_semaphore, #tpu.memory_space<semaphore_mem>>)
      %dma_wait3A_167 = tpu.memref_slice %arg6[%add3A_4] : memref<8192xi32, #tpu.memory_space<hbm>> -> memref<128xi32, #tpu.memory_space<hbm>>
      %dma_wait3A_168 = tpu.memref_slice %arg6[%add3A_4] : memref<8192xi32, #tpu.memory_space<hbm>> -> memref<128xi32, #tpu.memory_space<hbm>>
      tpu.wait_dma2 semaphore(%run_scoped3A : memref<!tpu.dma_semaphore, #tpu.memory_space<semaphore_mem>>) src(%dma_wait3A_168 : memref<128xi32, #tpu.memory_space<hbm>>) dst(%arg12 : memref<128xi32, #tpu.memory_space<vmem>>)
      tpu.yield
    }) : () -> ()
    %add3A_5 = arith.constant 128 : i32
    %add3A_6 = arith.addi %mul3A_2, %add3A_5 : i32
    "tpu.region"() ({
      %run_scoped3A = tpu.sem_alloc : memref<!tpu.dma_semaphore, #tpu.memory_space<semaphore_mem>>
      %dma_start3A_165 = tpu.memref_slice %arg6[%add3A_6] : memref<8192xi32, #tpu.memory_space<hbm>> -> memref<128xi32, #tpu.memory_space<hbm>>
      %dma_start3A_166 = tpu.memref_slice %arg6[%add3A_6] : memref<8192xi32, #tpu.memory_space<hbm>> -> memref<128xi32, #tpu.memory_space<hbm>>
      tpu.enqueue_dma source(%dma_start3A_166 : memref<128xi32, #tpu.memory_space<hbm>>) target(%arg13 : memref<128xi32, #tpu.memory_space<vmem>>) target_semaphore(%run_scoped3A : memref<!tpu.dma_semaphore, #tpu.memory_space<semaphore_mem>>)
      %dma_wait3A_167 = tpu.memref_slice %arg6[%add3A_6] : memref<8192xi32, #tpu.memory_space<hbm>> -> memref<128xi32, #tpu.memory_space<hbm>>
      %dma_wait3A_168 = tpu.memref_slice %arg6[%add3A_6] : memref<8192xi32, #tpu.memory_space<hbm>> -> memref<128xi32, #tpu.memory_space<hbm>>
      tpu.wait_dma2 semaphore(%run_scoped3A : memref<!tpu.dma_semaphore, #tpu.memory_space<semaphore_mem>>) src(%dma_wait3A_168 : memref<128xi32, #tpu.memory_space<hbm>>) dst(%arg13 : memref<128xi32, #tpu.memory_space<vmem>>)
      tpu.yield
    }) : () -> ()
    %dma_start3A = arith.constant 0 : i32
    %dma_start3A_7 = arith.constant 0 : i32
    %dma_start3A_8 = tpu.memref_slice %arg11[%dma_start3A, %dma_start3A_7] : memref<4x256xi32, #tpu.memory_space<vmem>> -> memref<1x128xi32, #tpu.memory_space<vmem>>
    %dma_start3A_9 = tpu.memref_squeeze %dma_start3A_8 : memref<1x128xi32, #tpu.memory_space<vmem>> -> memref<128xi32, #tpu.memory_space<vmem>>
    %dma_start3A_10 = arith.constant 0 : i32
    %dma_start3A_11 = arith.constant 0 : i32
    %dma_start3A_12 = tpu.memref_slice %arg4[%dma_start3A_10, %dma_start3A_11] : memref<500x128xi32, #tpu.memory_space<hbm>> -> memref<500x128xi32, #tpu.memory_space<hbm>>
    tpu.enqueue_indirect_dma source(%dma_start3A_12 : memref<500x128xi32, #tpu.memory_space<hbm>>) target(%arg14 : memref<128x128xi32, #tpu.memory_space<vmem>>) offsets(%dma_start3A_9 : memref<128xi32, #tpu.memory_space<vmem>>) semaphore(%arg18 : memref<!tpu.dma_semaphore, #tpu.memory_space<semaphore_mem>>)
    %dma_start3A_13 = arith.constant 1 : i32
    %dma_start3A_14 = arith.constant 0 : i32
    %dma_start3A_15 = tpu.memref_slice %arg11[%dma_start3A_13, %dma_start3A_14] : memref<4x256xi32, #tpu.memory_space<vmem>> -> memref<1x128xi32, #tpu.memory_space<vmem>>
    %dma_start3A_16 = tpu.memref_squeeze %dma_start3A_15 : memref<1x128xi32, #tpu.memory_space<vmem>> -> memref<128xi32, #tpu.memory_space<vmem>>
    %dma_start3A_17 = arith.constant 0 : i32
    %dma_start3A_18 = arith.constant 0 : i32
    %dma_start3A_19 = tpu.memref_slice %arg3[%dma_start3A_17, %dma_start3A_18] : memref<2000x128xi32, #tpu.memory_space<hbm>> -> memref<2000x128xi32, #tpu.memory_space<hbm>>
    tpu.enqueue_indirect_dma source(%dma_start3A_19 : memref<2000x128xi32, #tpu.memory_space<hbm>>) target(%arg15 : memref<128x128xi32, #tpu.memory_space<vmem>>) offsets(%dma_start3A_16 : memref<128xi32, #tpu.memory_space<vmem>>) semaphore(%arg19 : memref<!tpu.dma_semaphore, #tpu.memory_space<semaphore_mem>>)
    %dma_start3A_20 = arith.constant 2 : i32
    %dma_start3A_21 = arith.constant 0 : i32
    %dma_start3A_22 = tpu.memref_slice %arg11[%dma_start3A_20, %dma_start3A_21] : memref<4x256xi32, #tpu.memory_space<vmem>> -> memref<1x128xi32, #tpu.memory_space<vmem>>
    %dma_start3A_23 = tpu.memref_squeeze %dma_start3A_22 : memref<1x128xi32, #tpu.memory_space<vmem>> -> memref<128xi32, #tpu.memory_space<vmem>>
    %dma_start3A_24 = arith.constant 0 : i32
    %dma_start3A_25 = arith.constant 0 : i32
    %dma_start3A_26 = tpu.memref_slice %arg2[%dma_start3A_24, %dma_start3A_25] : memref<10000x128xi32, #tpu.memory_space<hbm>> -> memref<10000x128xi32, #tpu.memory_space<hbm>>
    tpu.enqueue_indirect_dma source(%dma_start3A_26 : memref<10000x128xi32, #tpu.memory_space<hbm>>) target(%arg16 : memref<128x128xi32, #tpu.memory_space<vmem>>) offsets(%dma_start3A_23 : memref<128xi32, #tpu.memory_space<vmem>>) semaphore(%arg20 : memref<!tpu.dma_semaphore, #tpu.memory_space<semaphore_mem>>)
    %dma_wait3A = arith.constant 0 : i32
    %dma_wait3A_27 = arith.constant 0 : i32
    %dma_wait3A_28 = tpu.memref_slice %arg11[%dma_wait3A, %dma_wait3A_27] : memref<4x256xi32, #tpu.memory_space<vmem>> -> memref<1x128xi32, #tpu.memory_space<vmem>>
    %dma_wait3A_29 = tpu.memref_squeeze %dma_wait3A_28 : memref<1x128xi32, #tpu.memory_space<vmem>> -> memref<128xi32, #tpu.memory_space<vmem>>
    %dma_wait3A_30 = arith.constant 0 : i32
    %dma_wait3A_31 = arith.constant 0 : i32
    %dma_wait3A_32 = tpu.memref_slice %arg4[%dma_wait3A_30, %dma_wait3A_31] : memref<500x128xi32, #tpu.memory_space<hbm>> -> memref<500x128xi32, #tpu.memory_space<hbm>>
    tpu.wait_indirect_dma semaphore(%arg18 : memref<!tpu.dma_semaphore, #tpu.memory_space<semaphore_mem>>) src(%dma_wait3A_32 : memref<500x128xi32, #tpu.memory_space<hbm>>) dst(%arg14 : memref<128x128xi32, #tpu.memory_space<vmem>>)
    %dma_start3A_33 = arith.constant 0 : i32
    %dma_start3A_34 = arith.constant 0 : i32
    %dma_start3A_35 = tpu.memref_slice %arg7[%dma_start3A_33, %dma_start3A_34] : memref<8192x128xi32, #tpu.memory_space<hbm>> -> memref<8192x128xi32, #tpu.memory_space<hbm>>
    tpu.enqueue_indirect_dma source(%arg14 : memref<128x128xi32, #tpu.memory_space<vmem>>) target(%dma_start3A_35 : memref<8192x128xi32, #tpu.memory_space<hbm>>) offsets(%arg12 : memref<128xi32, #tpu.memory_space<vmem>>) semaphore(%arg22 : memref<!tpu.dma_semaphore, #tpu.memory_space<semaphore_mem>>)
    %dma_start3A_36 = arith.constant 3 : i32
    %dma_start3A_37 = arith.constant 0 : i32
    %dma_start3A_38 = tpu.memref_slice %arg11[%dma_start3A_36, %dma_start3A_37] : memref<4x256xi32, #tpu.memory_space<vmem>> -> memref<1x128xi32, #tpu.memory_space<vmem>>
    %dma_start3A_39 = tpu.memref_squeeze %dma_start3A_38 : memref<1x128xi32, #tpu.memory_space<vmem>> -> memref<128xi32, #tpu.memory_space<vmem>>
    %dma_start3A_40 = arith.constant 0 : i32
    %dma_start3A_41 = arith.constant 0 : i32
    %dma_start3A_42 = tpu.memref_slice %arg2[%dma_start3A_40, %dma_start3A_41] : memref<10000x128xi32, #tpu.memory_space<hbm>> -> memref<10000x128xi32, #tpu.memory_space<hbm>>
    tpu.enqueue_indirect_dma source(%dma_start3A_42 : memref<10000x128xi32, #tpu.memory_space<hbm>>) target(%arg17 : memref<128x128xi32, #tpu.memory_space<vmem>>) offsets(%dma_start3A_39 : memref<128xi32, #tpu.memory_space<vmem>>) semaphore(%arg21 : memref<!tpu.dma_semaphore, #tpu.memory_space<semaphore_mem>>)
    %dma_wait3A_43 = arith.constant 1 : i32
    %dma_wait3A_44 = arith.constant 0 : i32
    %dma_wait3A_45 = tpu.memref_slice %arg11[%dma_wait3A_43, %dma_wait3A_44] : memref<4x256xi32, #tpu.memory_space<vmem>> -> memref<1x128xi32, #tpu.memory_space<vmem>>
    %dma_wait3A_46 = tpu.memref_squeeze %dma_wait3A_45 : memref<1x128xi32, #tpu.memory_space<vmem>> -> memref<128xi32, #tpu.memory_space<vmem>>
    %dma_wait3A_47 = arith.constant 0 : i32
    %dma_wait3A_48 = arith.constant 0 : i32
    %dma_wait3A_49 = tpu.memref_slice %arg3[%dma_wait3A_47, %dma_wait3A_48] : memref<2000x128xi32, #tpu.memory_space<hbm>> -> memref<2000x128xi32, #tpu.memory_space<hbm>>
    tpu.wait_indirect_dma semaphore(%arg19 : memref<!tpu.dma_semaphore, #tpu.memory_space<semaphore_mem>>) src(%dma_wait3A_49 : memref<2000x128xi32, #tpu.memory_space<hbm>>) dst(%arg15 : memref<128x128xi32, #tpu.memory_space<vmem>>)
    %dma_start3A_50 = arith.constant 0 : i32
    %dma_start3A_51 = arith.constant 0 : i32
    %dma_start3A_52 = tpu.memref_slice %arg8[%dma_start3A_50, %dma_start3A_51] : memref<8192x128xi32, #tpu.memory_space<hbm>> -> memref<8192x128xi32, #tpu.memory_space<hbm>>
    tpu.enqueue_indirect_dma source(%arg15 : memref<128x128xi32, #tpu.memory_space<vmem>>) target(%dma_start3A_52 : memref<8192x128xi32, #tpu.memory_space<hbm>>) offsets(%arg12 : memref<128xi32, #tpu.memory_space<vmem>>) semaphore(%arg23 : memref<!tpu.dma_semaphore, #tpu.memory_space<semaphore_mem>>)
    %dma_wait3A_53 = arith.constant 0 : i32
    %dma_wait3A_54 = arith.constant 0 : i32
    %dma_wait3A_55 = tpu.memref_slice %arg7[%dma_wait3A_53, %dma_wait3A_54] : memref<8192x128xi32, #tpu.memory_space<hbm>> -> memref<8192x128xi32, #tpu.memory_space<hbm>>
    tpu.wait_indirect_dma semaphore(%arg22 : memref<!tpu.dma_semaphore, #tpu.memory_space<semaphore_mem>>) src(%arg14 : memref<128x128xi32, #tpu.memory_space<vmem>>) dst(%dma_wait3A_55 : memref<8192x128xi32, #tpu.memory_space<hbm>>)
    %dma_start3A_56 = arith.constant 0 : i32
    %dma_start3A_57 = arith.constant 128 : i32
    %dma_start3A_58 = tpu.memref_slice %arg11[%dma_start3A_56, %dma_start3A_57] : memref<4x256xi32, #tpu.memory_space<vmem>> -> memref<1x128xi32, #tpu.memory_space<vmem>>
    %dma_start3A_59 = tpu.memref_squeeze %dma_start3A_58 : memref<1x128xi32, #tpu.memory_space<vmem>> -> memref<128xi32, #tpu.memory_space<vmem>>
    %dma_start3A_60 = arith.constant 0 : i32
    %dma_start3A_61 = arith.constant 0 : i32
    %dma_start3A_62 = tpu.memref_slice %arg4[%dma_start3A_60, %dma_start3A_61] : memref<500x128xi32, #tpu.memory_space<hbm>> -> memref<500x128xi32, #tpu.memory_space<hbm>>
    tpu.enqueue_indirect_dma source(%dma_start3A_62 : memref<500x128xi32, #tpu.memory_space<hbm>>) target(%arg14 : memref<128x128xi32, #tpu.memory_space<vmem>>) offsets(%dma_start3A_59 : memref<128xi32, #tpu.memory_space<vmem>>) semaphore(%arg18 : memref<!tpu.dma_semaphore, #tpu.memory_space<semaphore_mem>>)
    %dma_wait3A_63 = arith.constant 2 : i32
    %dma_wait3A_64 = arith.constant 0 : i32
    %dma_wait3A_65 = tpu.memref_slice %arg11[%dma_wait3A_63, %dma_wait3A_64] : memref<4x256xi32, #tpu.memory_space<vmem>> -> memref<1x128xi32, #tpu.memory_space<vmem>>
    %dma_wait3A_66 = tpu.memref_squeeze %dma_wait3A_65 : memref<1x128xi32, #tpu.memory_space<vmem>> -> memref<128xi32, #tpu.memory_space<vmem>>
    %dma_wait3A_67 = arith.constant 0 : i32
    %dma_wait3A_68 = arith.constant 0 : i32
    %dma_wait3A_69 = tpu.memref_slice %arg2[%dma_wait3A_67, %dma_wait3A_68] : memref<10000x128xi32, #tpu.memory_space<hbm>> -> memref<10000x128xi32, #tpu.memory_space<hbm>>
    tpu.wait_indirect_dma semaphore(%arg20 : memref<!tpu.dma_semaphore, #tpu.memory_space<semaphore_mem>>) src(%dma_wait3A_69 : memref<10000x128xi32, #tpu.memory_space<hbm>>) dst(%arg16 : memref<128x128xi32, #tpu.memory_space<vmem>>)
    %dma_start3A_70 = arith.constant 0 : i32
    %dma_start3A_71 = arith.constant 0 : i32
    %dma_start3A_72 = tpu.memref_slice %arg9[%dma_start3A_70, %dma_start3A_71] : memref<8192x128xi32, #tpu.memory_space<hbm>> -> memref<8192x128xi32, #tpu.memory_space<hbm>>
    tpu.enqueue_indirect_dma source(%arg16 : memref<128x128xi32, #tpu.memory_space<vmem>>) target(%dma_start3A_72 : memref<8192x128xi32, #tpu.memory_space<hbm>>) offsets(%arg12 : memref<128xi32, #tpu.memory_space<vmem>>) semaphore(%arg24 : memref<!tpu.dma_semaphore, #tpu.memory_space<semaphore_mem>>)
    %dma_wait3A_73 = arith.constant 0 : i32
    %dma_wait3A_74 = arith.constant 0 : i32
    %dma_wait3A_75 = tpu.memref_slice %arg8[%dma_wait3A_73, %dma_wait3A_74] : memref<8192x128xi32, #tpu.memory_space<hbm>> -> memref<8192x128xi32, #tpu.memory_space<hbm>>
    tpu.wait_indirect_dma semaphore(%arg23 : memref<!tpu.dma_semaphore, #tpu.memory_space<semaphore_mem>>) src(%arg15 : memref<128x128xi32, #tpu.memory_space<vmem>>) dst(%dma_wait3A_75 : memref<8192x128xi32, #tpu.memory_space<hbm>>)
    %dma_start3A_76 = arith.constant 1 : i32
    %dma_start3A_77 = arith.constant 128 : i32
    %dma_start3A_78 = tpu.memref_slice %arg11[%dma_start3A_76, %dma_start3A_77] : memref<4x256xi32, #tpu.memory_space<vmem>> -> memref<1x128xi32, #tpu.memory_space<vmem>>
    %dma_start3A_79 = tpu.memref_squeeze %dma_start3A_78 : memref<1x128xi32, #tpu.memory_space<vmem>> -> memref<128xi32, #tpu.memory_space<vmem>>
    %dma_start3A_80 = arith.constant 0 : i32
    %dma_start3A_81 = arith.constant 0 : i32
    %dma_start3A_82 = tpu.memref_slice %arg3[%dma_start3A_80, %dma_start3A_81] : memref<2000x128xi32, #tpu.memory_space<hbm>> -> memref<2000x128xi32, #tpu.memory_space<hbm>>
    tpu.enqueue_indirect_dma source(%dma_start3A_82 : memref<2000x128xi32, #tpu.memory_space<hbm>>) target(%arg15 : memref<128x128xi32, #tpu.memory_space<vmem>>) offsets(%dma_start3A_79 : memref<128xi32, #tpu.memory_space<vmem>>) semaphore(%arg19 : memref<!tpu.dma_semaphore, #tpu.memory_space<semaphore_mem>>)
    %dma_wait3A_83 = arith.constant 3 : i32
    %dma_wait3A_84 = arith.constant 0 : i32
    %dma_wait3A_85 = tpu.memref_slice %arg11[%dma_wait3A_83, %dma_wait3A_84] : memref<4x256xi32, #tpu.memory_space<vmem>> -> memref<1x128xi32, #tpu.memory_space<vmem>>
    %dma_wait3A_86 = tpu.memref_squeeze %dma_wait3A_85 : memref<1x128xi32, #tpu.memory_space<vmem>> -> memref<128xi32, #tpu.memory_space<vmem>>
    %dma_wait3A_87 = arith.constant 0 : i32
    %dma_wait3A_88 = arith.constant 0 : i32
    %dma_wait3A_89 = tpu.memref_slice %arg2[%dma_wait3A_87, %dma_wait3A_88] : memref<10000x128xi32, #tpu.memory_space<hbm>> -> memref<10000x128xi32, #tpu.memory_space<hbm>>
    tpu.wait_indirect_dma semaphore(%arg21 : memref<!tpu.dma_semaphore, #tpu.memory_space<semaphore_mem>>) src(%dma_wait3A_89 : memref<10000x128xi32, #tpu.memory_space<hbm>>) dst(%arg17 : memref<128x128xi32, #tpu.memory_space<vmem>>)
    %dma_start3A_90 = arith.constant 0 : i32
    %dma_start3A_91 = arith.constant 0 : i32
    %dma_start3A_92 = tpu.memref_slice %arg10[%dma_start3A_90, %dma_start3A_91] : memref<8192x128xi32, #tpu.memory_space<hbm>> -> memref<8192x128xi32, #tpu.memory_space<hbm>>
    tpu.enqueue_indirect_dma source(%arg17 : memref<128x128xi32, #tpu.memory_space<vmem>>) target(%dma_start3A_92 : memref<8192x128xi32, #tpu.memory_space<hbm>>) offsets(%arg12 : memref<128xi32, #tpu.memory_space<vmem>>) semaphore(%arg25 : memref<!tpu.dma_semaphore, #tpu.memory_space<semaphore_mem>>)
    %dma_wait3A_93 = arith.constant 0 : i32
    %dma_wait3A_94 = arith.constant 0 : i32
    %dma_wait3A_95 = tpu.memref_slice %arg9[%dma_wait3A_93, %dma_wait3A_94] : memref<8192x128xi32, #tpu.memory_space<hbm>> -> memref<8192x128xi32, #tpu.memory_space<hbm>>
    tpu.wait_indirect_dma semaphore(%arg24 : memref<!tpu.dma_semaphore, #tpu.memory_space<semaphore_mem>>) src(%arg16 : memref<128x128xi32, #tpu.memory_space<vmem>>) dst(%dma_wait3A_95 : memref<8192x128xi32, #tpu.memory_space<hbm>>)
    %dma_start3A_96 = arith.constant 2 : i32
    %dma_start3A_97 = arith.constant 128 : i32
    %dma_start3A_98 = tpu.memref_slice %arg11[%dma_start3A_96, %dma_start3A_97] : memref<4x256xi32, #tpu.memory_space<vmem>> -> memref<1x128xi32, #tpu.memory_space<vmem>>
    %dma_start3A_99 = tpu.memref_squeeze %dma_start3A_98 : memref<1x128xi32, #tpu.memory_space<vmem>> -> memref<128xi32, #tpu.memory_space<vmem>>
    %dma_start3A_100 = arith.constant 0 : i32
    %dma_start3A_101 = arith.constant 0 : i32
    %dma_start3A_102 = tpu.memref_slice %arg2[%dma_start3A_100, %dma_start3A_101] : memref<10000x128xi32, #tpu.memory_space<hbm>> -> memref<10000x128xi32, #tpu.memory_space<hbm>>
    tpu.enqueue_indirect_dma source(%dma_start3A_102 : memref<10000x128xi32, #tpu.memory_space<hbm>>) target(%arg16 : memref<128x128xi32, #tpu.memory_space<vmem>>) offsets(%dma_start3A_99 : memref<128xi32, #tpu.memory_space<vmem>>) semaphore(%arg20 : memref<!tpu.dma_semaphore, #tpu.memory_space<semaphore_mem>>)
    %dma_wait3A_103 = arith.constant 0 : i32
    %dma_wait3A_104 = arith.constant 128 : i32
    %dma_wait3A_105 = tpu.memref_slice %arg11[%dma_wait3A_103, %dma_wait3A_104] : memref<4x256xi32, #tpu.memory_space<vmem>> -> memref<1x128xi32, #tpu.memory_space<vmem>>
    %dma_wait3A_106 = tpu.memref_squeeze %dma_wait3A_105 : memref<1x128xi32, #tpu.memory_space<vmem>> -> memref<128xi32, #tpu.memory_space<vmem>>
    %dma_wait3A_107 = arith.constant 0 : i32
    %dma_wait3A_108 = arith.constant 0 : i32
    %dma_wait3A_109 = tpu.memref_slice %arg4[%dma_wait3A_107, %dma_wait3A_108] : memref<500x128xi32, #tpu.memory_space<hbm>> -> memref<500x128xi32, #tpu.memory_space<hbm>>
    tpu.wait_indirect_dma semaphore(%arg18 : memref<!tpu.dma_semaphore, #tpu.memory_space<semaphore_mem>>) src(%dma_wait3A_109 : memref<500x128xi32, #tpu.memory_space<hbm>>) dst(%arg14 : memref<128x128xi32, #tpu.memory_space<vmem>>)
    %dma_start3A_110 = arith.constant 0 : i32
    %dma_start3A_111 = arith.constant 0 : i32
    %dma_start3A_112 = tpu.memref_slice %arg7[%dma_start3A_110, %dma_start3A_111] : memref<8192x128xi32, #tpu.memory_space<hbm>> -> memref<8192x128xi32, #tpu.memory_space<hbm>>
    tpu.enqueue_indirect_dma source(%arg14 : memref<128x128xi32, #tpu.memory_space<vmem>>) target(%dma_start3A_112 : memref<8192x128xi32, #tpu.memory_space<hbm>>) offsets(%arg13 : memref<128xi32, #tpu.memory_space<vmem>>) semaphore(%arg22 : memref<!tpu.dma_semaphore, #tpu.memory_space<semaphore_mem>>)
    %dma_wait3A_113 = arith.constant 0 : i32
    %dma_wait3A_114 = arith.constant 0 : i32
    %dma_wait3A_115 = tpu.memref_slice %arg10[%dma_wait3A_113, %dma_wait3A_114] : memref<8192x128xi32, #tpu.memory_space<hbm>> -> memref<8192x128xi32, #tpu.memory_space<hbm>>
    tpu.wait_indirect_dma semaphore(%arg25 : memref<!tpu.dma_semaphore, #tpu.memory_space<semaphore_mem>>) src(%arg17 : memref<128x128xi32, #tpu.memory_space<vmem>>) dst(%dma_wait3A_115 : memref<8192x128xi32, #tpu.memory_space<hbm>>)
    %dma_start3A_116 = arith.constant 3 : i32
    %dma_start3A_117 = arith.constant 128 : i32
    %dma_start3A_118 = tpu.memref_slice %arg11[%dma_start3A_116, %dma_start3A_117] : memref<4x256xi32, #tpu.memory_space<vmem>> -> memref<1x128xi32, #tpu.memory_space<vmem>>
    %dma_start3A_119 = tpu.memref_squeeze %dma_start3A_118 : memref<1x128xi32, #tpu.memory_space<vmem>> -> memref<128xi32, #tpu.memory_space<vmem>>
    %dma_start3A_120 = arith.constant 0 : i32
    %dma_start3A_121 = arith.constant 0 : i32
    %dma_start3A_122 = tpu.memref_slice %arg2[%dma_start3A_120, %dma_start3A_121] : memref<10000x128xi32, #tpu.memory_space<hbm>> -> memref<10000x128xi32, #tpu.memory_space<hbm>>
    tpu.enqueue_indirect_dma source(%dma_start3A_122 : memref<10000x128xi32, #tpu.memory_space<hbm>>) target(%arg17 : memref<128x128xi32, #tpu.memory_space<vmem>>) offsets(%dma_start3A_119 : memref<128xi32, #tpu.memory_space<vmem>>) semaphore(%arg21 : memref<!tpu.dma_semaphore, #tpu.memory_space<semaphore_mem>>)
    %dma_wait3A_123 = arith.constant 1 : i32
    %dma_wait3A_124 = arith.constant 128 : i32
    %dma_wait3A_125 = tpu.memref_slice %arg11[%dma_wait3A_123, %dma_wait3A_124] : memref<4x256xi32, #tpu.memory_space<vmem>> -> memref<1x128xi32, #tpu.memory_space<vmem>>
    %dma_wait3A_126 = tpu.memref_squeeze %dma_wait3A_125 : memref<1x128xi32, #tpu.memory_space<vmem>> -> memref<128xi32, #tpu.memory_space<vmem>>
    %dma_wait3A_127 = arith.constant 0 : i32
    %dma_wait3A_128 = arith.constant 0 : i32
    %dma_wait3A_129 = tpu.memref_slice %arg3[%dma_wait3A_127, %dma_wait3A_128] : memref<2000x128xi32, #tpu.memory_space<hbm>> -> memref<2000x128xi32, #tpu.memory_space<hbm>>
    tpu.wait_indirect_dma semaphore(%arg19 : memref<!tpu.dma_semaphore, #tpu.memory_space<semaphore_mem>>) src(%dma_wait3A_129 : memref<2000x128xi32, #tpu.memory_space<hbm>>) dst(%arg15 : memref<128x128xi32, #tpu.memory_space<vmem>>)
    %dma_start3A_130 = arith.constant 0 : i32
    %dma_start3A_131 = arith.constant 0 : i32
    %dma_start3A_132 = tpu.memref_slice %arg8[%dma_start3A_130, %dma_start3A_131] : memref<8192x128xi32, #tpu.memory_space<hbm>> -> memref<8192x128xi32, #tpu.memory_space<hbm>>
    tpu.enqueue_indirect_dma source(%arg15 : memref<128x128xi32, #tpu.memory_space<vmem>>) target(%dma_start3A_132 : memref<8192x128xi32, #tpu.memory_space<hbm>>) offsets(%arg13 : memref<128xi32, #tpu.memory_space<vmem>>) semaphore(%arg23 : memref<!tpu.dma_semaphore, #tpu.memory_space<semaphore_mem>>)
    %dma_wait3A_133 = arith.constant 2 : i32
    %dma_wait3A_134 = arith.constant 128 : i32
    %dma_wait3A_135 = tpu.memref_slice %arg11[%dma_wait3A_133, %dma_wait3A_134] : memref<4x256xi32, #tpu.memory_space<vmem>> -> memref<1x128xi32, #tpu.memory_space<vmem>>
    %dma_wait3A_136 = tpu.memref_squeeze %dma_wait3A_135 : memref<1x128xi32, #tpu.memory_space<vmem>> -> memref<128xi32, #tpu.memory_space<vmem>>
    %dma_wait3A_137 = arith.constant 0 : i32
    %dma_wait3A_138 = arith.constant 0 : i32
    %dma_wait3A_139 = tpu.memref_slice %arg2[%dma_wait3A_137, %dma_wait3A_138] : memref<10000x128xi32, #tpu.memory_space<hbm>> -> memref<10000x128xi32, #tpu.memory_space<hbm>>
    tpu.wait_indirect_dma semaphore(%arg20 : memref<!tpu.dma_semaphore, #tpu.memory_space<semaphore_mem>>) src(%dma_wait3A_139 : memref<10000x128xi32, #tpu.memory_space<hbm>>) dst(%arg16 : memref<128x128xi32, #tpu.memory_space<vmem>>)
    %dma_start3A_140 = arith.constant 0 : i32
    %dma_start3A_141 = arith.constant 0 : i32
    %dma_start3A_142 = tpu.memref_slice %arg9[%dma_start3A_140, %dma_start3A_141] : memref<8192x128xi32, #tpu.memory_space<hbm>> -> memref<8192x128xi32, #tpu.memory_space<hbm>>
    tpu.enqueue_indirect_dma source(%arg16 : memref<128x128xi32, #tpu.memory_space<vmem>>) target(%dma_start3A_142 : memref<8192x128xi32, #tpu.memory_space<hbm>>) offsets(%arg13 : memref<128xi32, #tpu.memory_space<vmem>>) semaphore(%arg24 : memref<!tpu.dma_semaphore, #tpu.memory_space<semaphore_mem>>)
    %dma_wait3A_143 = arith.constant 3 : i32
    %dma_wait3A_144 = arith.constant 128 : i32
    %dma_wait3A_145 = tpu.memref_slice %arg11[%dma_wait3A_143, %dma_wait3A_144] : memref<4x256xi32, #tpu.memory_space<vmem>> -> memref<1x128xi32, #tpu.memory_space<vmem>>
    %dma_wait3A_146 = tpu.memref_squeeze %dma_wait3A_145 : memref<1x128xi32, #tpu.memory_space<vmem>> -> memref<128xi32, #tpu.memory_space<vmem>>
    %dma_wait3A_147 = arith.constant 0 : i32
    %dma_wait3A_148 = arith.constant 0 : i32
    %dma_wait3A_149 = tpu.memref_slice %arg2[%dma_wait3A_147, %dma_wait3A_148] : memref<10000x128xi32, #tpu.memory_space<hbm>> -> memref<10000x128xi32, #tpu.memory_space<hbm>>
    tpu.wait_indirect_dma semaphore(%arg21 : memref<!tpu.dma_semaphore, #tpu.memory_space<semaphore_mem>>) src(%dma_wait3A_149 : memref<10000x128xi32, #tpu.memory_space<hbm>>) dst(%arg17 : memref<128x128xi32, #tpu.memory_space<vmem>>)
    %dma_start3A_150 = arith.constant 0 : i32
    %dma_start3A_151 = arith.constant 0 : i32
    %dma_start3A_152 = tpu.memref_slice %arg10[%dma_start3A_150, %dma_start3A_151] : memref<8192x128xi32, #tpu.memory_space<hbm>> -> memref<8192x128xi32, #tpu.memory_space<hbm>>
    tpu.enqueue_indirect_dma source(%arg17 : memref<128x128xi32, #tpu.memory_space<vmem>>) target(%dma_start3A_152 : memref<8192x128xi32, #tpu.memory_space<hbm>>) offsets(%arg13 : memref<128xi32, #tpu.memory_space<vmem>>) semaphore(%arg25 : memref<!tpu.dma_semaphore, #tpu.memory_space<semaphore_mem>>)
    %dma_wait3A_153 = arith.constant 0 : i32
    %dma_wait3A_154 = arith.constant 0 : i32
    %dma_wait3A_155 = tpu.memref_slice %arg7[%dma_wait3A_153, %dma_wait3A_154] : memref<8192x128xi32, #tpu.memory_space<hbm>> -> memref<8192x128xi32, #tpu.memory_space<hbm>>
    tpu.wait_indirect_dma semaphore(%arg22 : memref<!tpu.dma_semaphore, #tpu.memory_space<semaphore_mem>>) src(%arg14 : memref<128x128xi32, #tpu.memory_space<vmem>>) dst(%dma_wait3A_155 : memref<8192x128xi32, #tpu.memory_space<hbm>>)
    %dma_wait3A_156 = arith.constant 0 : i32
    %dma_wait3A_157 = arith.constant 0 : i32
    %dma_wait3A_158 = tpu.memref_slice %arg8[%dma_wait3A_156, %dma_wait3A_157] : memref<8192x128xi32, #tpu.memory_space<hbm>> -> memref<8192x128xi32, #tpu.memory_space<hbm>>
    tpu.wait_indirect_dma semaphore(%arg23 : memref<!tpu.dma_semaphore, #tpu.memory_space<semaphore_mem>>) src(%arg15 : memref<128x128xi32, #tpu.memory_space<vmem>>) dst(%dma_wait3A_158 : memref<8192x128xi32, #tpu.memory_space<hbm>>)
    %dma_wait3A_159 = arith.constant 0 : i32
    %dma_wait3A_160 = arith.constant 0 : i32
    %dma_wait3A_161 = tpu.memref_slice %arg9[%dma_wait3A_159, %dma_wait3A_160] : memref<8192x128xi32, #tpu.memory_space<hbm>> -> memref<8192x128xi32, #tpu.memory_space<hbm>>
    tpu.wait_indirect_dma semaphore(%arg24 : memref<!tpu.dma_semaphore, #tpu.memory_space<semaphore_mem>>) src(%arg16 : memref<128x128xi32, #tpu.memory_space<vmem>>) dst(%dma_wait3A_161 : memref<8192x128xi32, #tpu.memory_space<hbm>>)
    %dma_wait3A_162 = arith.constant 0 : i32
    %dma_wait3A_163 = arith.constant 0 : i32
    %dma_wait3A_164 = tpu.memref_slice %arg10[%dma_wait3A_162, %dma_wait3A_163] : memref<8192x128xi32, #tpu.memory_space<hbm>> -> memref<8192x128xi32, #tpu.memory_space<hbm>>
    tpu.wait_indirect_dma semaphore(%arg25 : memref<!tpu.dma_semaphore, #tpu.memory_space<semaphore_mem>>) src(%arg17 : memref<128x128xi32, #tpu.memory_space<vmem>>) dst(%dma_wait3A_164 : memref<8192x128xi32, #tpu.memory_space<hbm>>)
    return
  }
}

#map = affine_map<(d0, d1) -> (0, 0)>
#map1 = affine_map<(d0, d1) -> (0)>
module attributes {stable_mosaic.version = 14 : i64} {
  func.func @k(%arg0: i32, %arg1: i32, %arg2: memref<8192x256xf32, #tpu.memory_space<hbm>>, %arg3: memref<8192xi32, #tpu.memory_space<hbm>>, %arg4: memref<8192x256xf32, #tpu.memory_space<hbm>>, %arg5: memref<256xi32, #tpu.memory_space<vmem>>, %arg6: memref<128x256xf32, #tpu.memory_space<vmem>>, %arg7: memref<128x256xf32, #tpu.memory_space<vmem>>, %arg8: memref<!tpu.dma_semaphore, #tpu.memory_space<semaphore_mem>>, %arg9: memref<!tpu.dma_semaphore, #tpu.memory_space<semaphore_mem>>, %arg10: memref<!tpu.dma_semaphore, #tpu.memory_space<semaphore_mem>>, %arg11: memref<!tpu.dma_semaphore, #tpu.memory_space<semaphore_mem>>) attributes {dimension_semantics = [#tpu.dimension_semantics<core_parallel>, #tpu.dimension_semantics<subcore_parallel>], iteration_bounds = array<i64: 2, 16>, scalar_prefetch = 0 : i64, scratch_operands = 7 : i64, tpu.core_type = #tpu.core_type<sc_vector_subcore>, window_params = [{transform_indices = #map}, {transform_indices = #map1}, {transform_indices = #map}]} {
    %mul3A = arith.constant 2 : i32
    %mul3A_0 = arith.muli %arg1, %mul3A : i32
    %add3A = arith.addi %mul3A_0, %arg0 : i32
    %mul3A_1 = arith.constant 256 : i32
    %mul3A_2 = arith.muli %add3A, %mul3A_1 : i32
    "tpu.region"() ({
      %run_scoped3A = tpu.sem_alloc : memref<!tpu.dma_semaphore, #tpu.memory_space<semaphore_mem>>
      %dma_start3A_39 = tpu.memref_slice %arg3[%mul3A_2] : memref<8192xi32, #tpu.memory_space<hbm>> -> memref<256xi32, #tpu.memory_space<hbm>>
      %dma_start3A_40 = tpu.memref_slice %arg3[%mul3A_2] : memref<8192xi32, #tpu.memory_space<hbm>> -> memref<256xi32, #tpu.memory_space<hbm>>
      tpu.enqueue_dma source(%dma_start3A_40 : memref<256xi32, #tpu.memory_space<hbm>>) target(%arg5 : memref<256xi32, #tpu.memory_space<vmem>>) target_semaphore(%run_scoped3A : memref<!tpu.dma_semaphore, #tpu.memory_space<semaphore_mem>>)
      %dma_wait3A_41 = tpu.memref_slice %arg3[%mul3A_2] : memref<8192xi32, #tpu.memory_space<hbm>> -> memref<256xi32, #tpu.memory_space<hbm>>
      %dma_wait3A_42 = tpu.memref_slice %arg3[%mul3A_2] : memref<8192xi32, #tpu.memory_space<hbm>> -> memref<256xi32, #tpu.memory_space<hbm>>
      tpu.wait_dma2 semaphore(%run_scoped3A : memref<!tpu.dma_semaphore, #tpu.memory_space<semaphore_mem>>) src(%dma_wait3A_42 : memref<256xi32, #tpu.memory_space<hbm>>) dst(%arg5 : memref<256xi32, #tpu.memory_space<vmem>>)
      tpu.yield
    }) : () -> ()
    %dma_start3A = arith.constant 0 : i32
    %dma_start3A_3 = tpu.memref_slice %arg5[%dma_start3A] : memref<256xi32, #tpu.memory_space<vmem>> -> memref<128xi32, #tpu.memory_space<vmem>>
    %dma_start3A_4 = arith.constant 0 : i32
    %dma_start3A_5 = arith.constant 0 : i32
    %dma_start3A_6 = tpu.memref_slice %arg2[%dma_start3A_4, %dma_start3A_5] : memref<8192x256xf32, #tpu.memory_space<hbm>> -> memref<8192x256xf32, #tpu.memory_space<hbm>>
    tpu.enqueue_indirect_dma source(%dma_start3A_6 : memref<8192x256xf32, #tpu.memory_space<hbm>>) target(%arg6 : memref<128x256xf32, #tpu.memory_space<vmem>>) offsets(%dma_start3A_3 : memref<128xi32, #tpu.memory_space<vmem>>) semaphore(%arg8 : memref<!tpu.dma_semaphore, #tpu.memory_space<semaphore_mem>>)
    %dma_start3A_7 = arith.constant 128 : i32
    %dma_start3A_8 = tpu.memref_slice %arg5[%dma_start3A_7] : memref<256xi32, #tpu.memory_space<vmem>> -> memref<128xi32, #tpu.memory_space<vmem>>
    %dma_start3A_9 = arith.constant 0 : i32
    %dma_start3A_10 = arith.constant 0 : i32
    %dma_start3A_11 = tpu.memref_slice %arg2[%dma_start3A_9, %dma_start3A_10] : memref<8192x256xf32, #tpu.memory_space<hbm>> -> memref<8192x256xf32, #tpu.memory_space<hbm>>
    tpu.enqueue_indirect_dma source(%dma_start3A_11 : memref<8192x256xf32, #tpu.memory_space<hbm>>) target(%arg7 : memref<128x256xf32, #tpu.memory_space<vmem>>) offsets(%dma_start3A_8 : memref<128xi32, #tpu.memory_space<vmem>>) semaphore(%arg9 : memref<!tpu.dma_semaphore, #tpu.memory_space<semaphore_mem>>)
    %dma_wait3A = arith.constant 0 : i32
    %dma_wait3A_12 = tpu.memref_slice %arg5[%dma_wait3A] : memref<256xi32, #tpu.memory_space<vmem>> -> memref<128xi32, #tpu.memory_space<vmem>>
    %dma_wait3A_13 = arith.constant 0 : i32
    %dma_wait3A_14 = arith.constant 0 : i32
    %dma_wait3A_15 = tpu.memref_slice %arg2[%dma_wait3A_13, %dma_wait3A_14] : memref<8192x256xf32, #tpu.memory_space<hbm>> -> memref<8192x256xf32, #tpu.memory_space<hbm>>
    tpu.wait_indirect_dma semaphore(%arg8 : memref<!tpu.dma_semaphore, #tpu.memory_space<semaphore_mem>>) src(%dma_wait3A_15 : memref<8192x256xf32, #tpu.memory_space<hbm>>) dst(%arg6 : memref<128x256xf32, #tpu.memory_space<vmem>>)
    %dma_start3A_16 = arith.constant 0 : i32
    %dma_start3A_17 = tpu.memref_slice %arg4[%mul3A_2, %dma_start3A_16] : memref<8192x256xf32, #tpu.memory_space<hbm>> -> memref<128x256xf32, #tpu.memory_space<hbm>>
    %dma_start3A_18 = arith.constant 0 : i32
    %dma_start3A_19 = tpu.memref_slice %arg4[%mul3A_2, %dma_start3A_18] : memref<8192x256xf32, #tpu.memory_space<hbm>> -> memref<128x256xf32, #tpu.memory_space<hbm>>
    tpu.enqueue_dma source(%arg6 : memref<128x256xf32, #tpu.memory_space<vmem>>) target(%dma_start3A_19 : memref<128x256xf32, #tpu.memory_space<hbm>>) target_semaphore(%arg10 : memref<!tpu.dma_semaphore, #tpu.memory_space<semaphore_mem>>)
    %dma_wait3A_20 = arith.constant 128 : i32
    %dma_wait3A_21 = tpu.memref_slice %arg5[%dma_wait3A_20] : memref<256xi32, #tpu.memory_space<vmem>> -> memref<128xi32, #tpu.memory_space<vmem>>
    %dma_wait3A_22 = arith.constant 0 : i32
    %dma_wait3A_23 = arith.constant 0 : i32
    %dma_wait3A_24 = tpu.memref_slice %arg2[%dma_wait3A_22, %dma_wait3A_23] : memref<8192x256xf32, #tpu.memory_space<hbm>> -> memref<8192x256xf32, #tpu.memory_space<hbm>>
    tpu.wait_indirect_dma semaphore(%arg9 : memref<!tpu.dma_semaphore, #tpu.memory_space<semaphore_mem>>) src(%dma_wait3A_24 : memref<8192x256xf32, #tpu.memory_space<hbm>>) dst(%arg7 : memref<128x256xf32, #tpu.memory_space<vmem>>)
    %add3A_25 = arith.constant 128 : i32
    %add3A_26 = arith.addi %mul3A_2, %add3A_25 : i32
    %dma_start3A_27 = arith.constant 0 : i32
    %dma_start3A_28 = tpu.memref_slice %arg4[%add3A_26, %dma_start3A_27] : memref<8192x256xf32, #tpu.memory_space<hbm>> -> memref<128x256xf32, #tpu.memory_space<hbm>>
    %dma_start3A_29 = arith.constant 0 : i32
    %dma_start3A_30 = tpu.memref_slice %arg4[%add3A_26, %dma_start3A_29] : memref<8192x256xf32, #tpu.memory_space<hbm>> -> memref<128x256xf32, #tpu.memory_space<hbm>>
    tpu.enqueue_dma source(%arg7 : memref<128x256xf32, #tpu.memory_space<vmem>>) target(%dma_start3A_30 : memref<128x256xf32, #tpu.memory_space<hbm>>) target_semaphore(%arg11 : memref<!tpu.dma_semaphore, #tpu.memory_space<semaphore_mem>>)
    %dma_wait3A_31 = arith.constant 0 : i32
    %dma_wait3A_32 = tpu.memref_slice %arg4[%mul3A_2, %dma_wait3A_31] : memref<8192x256xf32, #tpu.memory_space<hbm>> -> memref<128x256xf32, #tpu.memory_space<hbm>>
    %dma_wait3A_33 = arith.constant 0 : i32
    %dma_wait3A_34 = tpu.memref_slice %arg4[%mul3A_2, %dma_wait3A_33] : memref<8192x256xf32, #tpu.memory_space<hbm>> -> memref<128x256xf32, #tpu.memory_space<hbm>>
    tpu.wait_dma2 semaphore(%arg10 : memref<!tpu.dma_semaphore, #tpu.memory_space<semaphore_mem>>) src(%arg6 : memref<128x256xf32, #tpu.memory_space<vmem>>) dst(%dma_wait3A_34 : memref<128x256xf32, #tpu.memory_space<hbm>>)
    %dma_wait3A_35 = arith.constant 0 : i32
    %dma_wait3A_36 = tpu.memref_slice %arg4[%add3A_26, %dma_wait3A_35] : memref<8192x256xf32, #tpu.memory_space<hbm>> -> memref<128x256xf32, #tpu.memory_space<hbm>>
    %dma_wait3A_37 = arith.constant 0 : i32
    %dma_wait3A_38 = tpu.memref_slice %arg4[%add3A_26, %dma_wait3A_37] : memref<8192x256xf32, #tpu.memory_space<hbm>> -> memref<128x256xf32, #tpu.memory_space<hbm>>
    tpu.wait_dma2 semaphore(%arg11 : memref<!tpu.dma_semaphore, #tpu.memory_space<semaphore_mem>>) src(%arg7 : memref<128x256xf32, #tpu.memory_space<vmem>>) dst(%dma_wait3A_38 : memref<128x256xf32, #tpu.memory_space<hbm>>)
    return
  }
}

module attributes {stable_mosaic.version = 14 : i64} {
  func.func @_mlp_body(%arg0: i32, %arg1: memref<3xi32, #tpu.memory_space<smem>>, %arg2: memref<1024x128xi32, #tpu.memory_space<vmem>>, %arg3: memref<1024x128xi32, #tpu.memory_space<vmem>>, %arg4: memref<1024x128xi32, #tpu.memory_space<vmem>>, %arg5: memref<1024x128xi32, #tpu.memory_space<vmem>>, %arg6: memref<256x512xf32, #tpu.memory_space<vmem>>, %arg7: memref<256x512xf32, #tpu.memory_space<vmem>>, %arg8: memref<256x512xf32, #tpu.memory_space<vmem>>, %arg9: memref<256x512xf32, #tpu.memory_space<vmem>>, %arg10: memref<1x512xf32, #tpu.memory_space<vmem>>, %arg11: memref<512x256xf32, #tpu.memory_space<vmem>>, %arg12: memref<1x256xf32, #tpu.memory_space<vmem>>, %arg13: memref<256x512xf32, #tpu.memory_space<vmem>>, %arg14: memref<256x512xf32, #tpu.memory_space<vmem>>, %arg15: memref<1x512xf32, #tpu.memory_space<vmem>>, %arg16: memref<512x256xf32, #tpu.memory_space<vmem>>, %arg17: memref<1x256xf32, #tpu.memory_space<vmem>>, %arg18: memref<256x512xf32, #tpu.memory_space<vmem>>, %arg19: memref<256x512xf32, #tpu.memory_space<vmem>>, %arg20: memref<1x512xf32, #tpu.memory_space<vmem>>, %arg21: memref<512x256xf32, #tpu.memory_space<vmem>>, %arg22: memref<1x256xf32, #tpu.memory_space<vmem>>, %arg23: memref<1x256xf32, #tpu.memory_space<vmem>>, %arg24: memref<1024x256xf32, #tpu.memory_space<vmem>>) attributes {dimension_semantics = [#tpu.dimension_semantics<arbitrary>], iteration_bounds = array<i64: 8>, scalar_prefetch = 1 : i64, scratch_operands = 0 : i64, tpu.core_type = #tpu.core_type<tc>, window_params = [{transform_indices = @transform_0, window_bounds = array<i64: 1024, 128>}, {transform_indices = @transform_1, window_bounds = array<i64: 1024, 128>}, {transform_indices = @transform_2, window_bounds = array<i64: 1024, 128>}, {transform_indices = @transform_3, window_bounds = array<i64: 1024, 128>}, {transform_indices = @transform_4, window_bounds = array<i64: 256, 512>}, {transform_indices = @transform_5, window_bounds = array<i64: 256, 512>}, {transform_indices = @transform_6, window_bounds = array<i64: 256, 512>}, {transform_indices = @transform_7, window_bounds = array<i64: 256, 512>}, {pipeline_mode = #tpu.pipeline_mode<synchronous>, transform_indices = @transform_8, window_bounds = array<i64: 1, 512>}, {pipeline_mode = #tpu.pipeline_mode<synchronous>, transform_indices = @transform_9, window_bounds = array<i64: 512, 256>}, {pipeline_mode = #tpu.pipeline_mode<synchronous>, transform_indices = @transform_10, window_bounds = array<i64: 1, 256>}, {transform_indices = @transform_11, window_bounds = array<i64: 256, 512>}, {transform_indices = @transform_12, window_bounds = array<i64: 256, 512>}, {pipeline_mode = #tpu.pipeline_mode<synchronous>, transform_indices = @transform_13, window_bounds = array<i64: 1, 512>}, {pipeline_mode = #tpu.pipeline_mode<synchronous>, transform_indices = @transform_14, window_bounds = array<i64: 512, 256>}, {pipeline_mode = #tpu.pipeline_mode<synchronous>, transform_indices = @transform_15, window_bounds = array<i64: 1, 256>}, {transform_indices = @transform_16, window_bounds = array<i64: 256, 512>}, {transform_indices = @transform_17, window_bounds = array<i64: 256, 512>}, {pipeline_mode = #tpu.pipeline_mode<synchronous>, transform_indices = @transform_18, window_bounds = array<i64: 1, 512>}, {pipeline_mode = #tpu.pipeline_mode<synchronous>, transform_indices = @transform_19, window_bounds = array<i64: 512, 256>}, {pipeline_mode = #tpu.pipeline_mode<synchronous>, transform_indices = @transform_20, window_bounds = array<i64: 1, 256>}, {pipeline_mode = #tpu.pipeline_mode<synchronous>, transform_indices = @transform_21, window_bounds = array<i64: 1, 256>}, {transform_indices = @transform_22, window_bounds = array<i64: 1024, 256>}]} {
    %mul3A = arith.constant 1024 : i32
    %mul3A_0 = arith.muli %arg0, %mul3A : i32
    %add3A = arith.constant 1024 : i32
    %add3A_1 = arith.addi %mul3A_0, %add3A : i32
    %get3A = arith.constant 0 : index
    %get3A_2 = memref.load %arg1[%get3A] : memref<3xi32, #tpu.memory_space<smem>>
    %get3A_3 = arith.constant 1 : index
    %get3A_4 = memref.load %arg1[%get3A_3] : memref<3xi32, #tpu.memory_space<smem>>
    %get3A_5 = arith.constant 2 : index
    %get3A_6 = memref.load %arg1[%get3A_5] : memref<3xi32, #tpu.memory_space<smem>>
    %iota3A = tpu.iota {dimensions = array<i32: 0>} : vector<1024x1xi32>
    %add3A_7 = vector.broadcast %mul3A_0 : i32 to vector<1024x1xi32>
    %add3A_8 = arith.addi %add3A_7, %iota3A : vector<1024x1xi32>
    %get3A_9 = arith.constant 0 : index
    %get3A_10 = arith.constant 0 : index
    %get3A_11 = vector.load %arg23[%get3A_9, %get3A_10] : memref<1x256xf32, #tpu.memory_space<vmem>>, vector<1x256xf32>
    %broadcast_in_dim3A = vector.shape_cast %get3A_11 : vector<1x256xf32> to vector<1x256xf32>
    %broadcast_in_dim3A_12 = vector.broadcast %broadcast_in_dim3A : vector<1x256xf32> to vector<1024x256xf32>
    %swap3A = arith.constant 0 : index
    %swap3A_13 = arith.constant 0 : index
    %swap3A_14 = vector.load %arg24[%swap3A, %swap3A_13] : memref<1024x256xf32, #tpu.memory_space<vmem>>, vector<1024x256xf32>
    tpu.vector_store %arg24[%swap3A, %swap3A_13], %broadcast_in_dim3A_12 {strides = array<i32>} : memref<1024x256xf32, #tpu.memory_space<vmem>>, vector<1024x256xf32>,
    %lt3A = arith.cmpi slt, %get3A_2, %add3A_1 : i32
    %gt3A = arith.cmpi sgt, %get3A_4, %mul3A_0 : i32
    %and3A = arith.andi %lt3A, %gt3A : i1
    %gt3A_15 = arith.cmpi sgt, %get3A_4, %get3A_2 : i32
    %and3A_16 = arith.andi %and3A, %gt3A_15 : i1
    %convert_element_type3A = arith.extui %and3A_16 : i1 to i32
    %cond3A = arith.constant 0 : i32
    %cond3A_17 = arith.cmpi ne, %convert_element_type3A, %cond3A : i32
    scf.if %cond3A_17 {
      %get3A_30 = arith.constant 0 : index
      %get3A_31 = arith.constant 0 : index
      %get3A_32 = vector.load %arg2[%get3A_30, %get3A_31] : memref<1024x128xi32, #tpu.memory_space<vmem>>, vector<1024x128xi32>
      %shift_left3A = arith.constant 16 : i32
      %shift_left3A_33 = vector.broadcast %shift_left3A : i32 to vector<1024x128xi32>
      %shift_left3A_34 = arith.shli %get3A_32, %shift_left3A_33 : vector<1024x128xi32>
      %bitcast_convert_type3A = tpu.bitcast %shift_left3A_34 : vector<1024x128xi32> -> vector<1024x128xf32>
      %and3A_35 = arith.constant -65536 : i32
      %and3A_36 = vector.broadcast %and3A_35 : i32 to vector<1024x128xi32>
      %and3A_37 = arith.andi %get3A_32, %and3A_36 : vector<1024x128xi32>
      %bitcast_convert_type3A_38 = tpu.bitcast %and3A_37 : vector<1024x128xi32> -> vector<1024x128xf32>
      %concatenate3A = tpu.concatenate %bitcast_convert_type3A, %bitcast_convert_type3A_38 in 1 : vector<1024x128xf32>, vector<1024x128xf32> -> vector<1024x256xf32>
      %get3A_39 = arith.constant 0 : index
      %get3A_40 = arith.constant 0 : index
      %get3A_41 = vector.load %arg6[%get3A_39, %get3A_40] : memref<256x512xf32, #tpu.memory_space<vmem>>, vector<256x512xf32>
      %dot_general3A = arith.constant dense<0.000000e+00> : vector<1024x512xf32>
      %dot_general3A_42 = tpu.matmul %concatenate3A, %get3A_41, %dot_general3A {dimension_numbers = #tpu.dot_dimension_numbers<[1], [0], [0], [1], [0, 0, 1, 1], [], []>, transpose_lhs_hint = false} : vector<1024x256xf32>, vector<256x512xf32>, vector<1024x512xf32> -> vector<1024x512xf32>
      %get3A_43 = arith.constant 0 : index
      %get3A_44 = arith.constant 0 : index
      %get3A_45 = vector.load %arg4[%get3A_43, %get3A_44] : memref<1024x128xi32, #tpu.memory_space<vmem>>, vector<1024x128xi32>
      %shift_left3A_46 = arith.constant 16 : i32
      %shift_left3A_47 = vector.broadcast %shift_left3A_46 : i32 to vector<1024x128xi32>
      %shift_left3A_48 = arith.shli %get3A_45, %shift_left3A_47 : vector<1024x128xi32>
      %bitcast_convert_type3A_49 = tpu.bitcast %shift_left3A_48 : vector<1024x128xi32> -> vector<1024x128xf32>
      %and3A_50 = arith.constant -65536 : i32
      %and3A_51 = vector.broadcast %and3A_50 : i32 to vector<1024x128xi32>
      %and3A_52 = arith.andi %get3A_45, %and3A_51 : vector<1024x128xi32>
      %bitcast_convert_type3A_53 = tpu.bitcast %and3A_52 : vector<1024x128xi32> -> vector<1024x128xf32>
      %concatenate3A_54 = tpu.concatenate %bitcast_convert_type3A_49, %bitcast_convert_type3A_53 in 1 : vector<1024x128xf32>, vector<1024x128xf32> -> vector<1024x256xf32>
      %get3A_55 = arith.constant 0 : index
      %get3A_56 = arith.constant 0 : index
      %get3A_57 = vector.load %arg7[%get3A_55, %get3A_56] : memref<256x512xf32, #tpu.memory_space<vmem>>, vector<256x512xf32>
      %dot_general3A_58 = arith.constant dense<0.000000e+00> : vector<1024x512xf32>
      %dot_general3A_59 = tpu.matmul %concatenate3A_54, %get3A_57, %dot_general3A_58 {dimension_numbers = #tpu.dot_dimension_numbers<[1], [0], [0], [1], [0, 0, 1, 1], [], []>, transpose_lhs_hint = false} : vector<1024x256xf32>, vector<256x512xf32>, vector<1024x512xf32> -> vector<1024x512xf32>
      %add3A_60 = arith.addf %dot_general3A_42, %dot_general3A_59 : vector<1024x512xf32>
      %get3A_61 = arith.constant 0 : index
      %get3A_62 = arith.constant 0 : index
      %get3A_63 = vector.load %arg5[%get3A_61, %get3A_62] : memref<1024x128xi32, #tpu.memory_space<vmem>>, vector<1024x128xi32>
      %shift_left3A_64 = arith.constant 16 : i32
      %shift_left3A_65 = vector.broadcast %shift_left3A_64 : i32 to vector<1024x128xi32>
      %shift_left3A_66 = arith.shli %get3A_63, %shift_left3A_65 : vector<1024x128xi32>
      %bitcast_convert_type3A_67 = tpu.bitcast %shift_left3A_66 : vector<1024x128xi32> -> vector<1024x128xf32>
      %and3A_68 = arith.constant -65536 : i32
      %and3A_69 = vector.broadcast %and3A_68 : i32 to vector<1024x128xi32>
      %and3A_70 = arith.andi %get3A_63, %and3A_69 : vector<1024x128xi32>
      %bitcast_convert_type3A_71 = tpu.bitcast %and3A_70 : vector<1024x128xi32> -> vector<1024x128xf32>
      %concatenate3A_72 = tpu.concatenate %bitcast_convert_type3A_67, %bitcast_convert_type3A_71 in 1 : vector<1024x128xf32>, vector<1024x128xf32> -> vector<1024x256xf32>
      %get3A_73 = arith.constant 0 : index
      %get3A_74 = arith.constant 0 : index
      %get3A_75 = vector.load %arg8[%get3A_73, %get3A_74] : memref<256x512xf32, #tpu.memory_space<vmem>>, vector<256x512xf32>
      %dot_general3A_76 = arith.constant dense<0.000000e+00> : vector<1024x512xf32>
      %dot_general3A_77 = tpu.matmul %concatenate3A_72, %get3A_75, %dot_general3A_76 {dimension_numbers = #tpu.dot_dimension_numbers<[1], [0], [0], [1], [0, 0, 1, 1], [], []>, transpose_lhs_hint = false} : vector<1024x256xf32>, vector<256x512xf32>, vector<1024x512xf32> -> vector<1024x512xf32>
      %add3A_78 = arith.addf %add3A_60, %dot_general3A_77 : vector<1024x512xf32>
      %get3A_79 = arith.constant 0 : index
      %get3A_80 = arith.constant 0 : index
      %get3A_81 = vector.load %arg3[%get3A_79, %get3A_80] : memref<1024x128xi32, #tpu.memory_space<vmem>>, vector<1024x128xi32>
      %shift_left3A_82 = arith.constant 16 : i32
      %shift_left3A_83 = vector.broadcast %shift_left3A_82 : i32 to vector<1024x128xi32>
      %shift_left3A_84 = arith.shli %get3A_81, %shift_left3A_83 : vector<1024x128xi32>
      %bitcast_convert_type3A_85 = tpu.bitcast %shift_left3A_84 : vector<1024x128xi32> -> vector<1024x128xf32>
      %and3A_86 = arith.constant -65536 : i32
      %and3A_87 = vector.broadcast %and3A_86 : i32 to vector<1024x128xi32>
      %and3A_88 = arith.andi %get3A_81, %and3A_87 : vector<1024x128xi32>
      %bitcast_convert_type3A_89 = tpu.bitcast %and3A_88 : vector<1024x128xi32> -> vector<1024x128xf32>
      %concatenate3A_90 = tpu.concatenate %bitcast_convert_type3A_85, %bitcast_convert_type3A_89 in 1 : vector<1024x128xf32>, vector<1024x128xf32> -> vector<1024x256xf32>
      %get3A_91 = arith.constant 0 : index
      %get3A_92 = arith.constant 0 : index
      %get3A_93 = vector.load %arg9[%get3A_91, %get3A_92] : memref<256x512xf32, #tpu.memory_space<vmem>>, vector<256x512xf32>
      %dot_general3A_94 = arith.constant dense<0.000000e+00> : vector<1024x512xf32>
      %dot_general3A_95 = tpu.matmul %concatenate3A_90, %get3A_93, %dot_general3A_94 {dimension_numbers = #tpu.dot_dimension_numbers<[1], [0], [0], [1], [0, 0, 1, 1], [], []>, transpose_lhs_hint = false} : vector<1024x256xf32>, vector<256x512xf32>, vector<1024x512xf32> -> vector<1024x512xf32>
      %add3A_96 = arith.addf %add3A_78, %dot_general3A_95 : vector<1024x512xf32>
      %get3A_97 = arith.constant 0 : index
      %get3A_98 = arith.constant 0 : index
      %get3A_99 = vector.load %arg10[%get3A_97, %get3A_98] : memref<1x512xf32, #tpu.memory_space<vmem>>, vector<1x512xf32>
      %add3A_100 = vector.broadcast %get3A_99 : vector<1x512xf32> to vector<1024x512xf32>
      %add3A_101 = arith.addf %add3A_96, %add3A_100 : vector<1024x512xf32>
      %ge3A = arith.constant 0.000000e+00 : f32
      %ge3A_102 = vector.broadcast %ge3A : f32 to vector<1024x512xf32>
      %ge3A_103 = arith.cmpf oge, %add3A_101, %ge3A_102 : vector<1024x512xf32>
      %mul3A_104 = arith.constant 0.00999999977 : f32
      %mul3A_105 = vector.broadcast %mul3A_104 : f32 to vector<1024x512xf32>
      %mul3A_106 = arith.mulf %mul3A_105, %add3A_101 : vector<1024x512xf32>
      %select_n3A = arith.select %ge3A_103, %add3A_101, %mul3A_106 : vector<1024x512xi1>, vector<1024x512xf32>
      %get3A_107 = arith.constant 0 : index
      %get3A_108 = arith.constant 0 : index
      %get3A_109 = vector.load %arg11[%get3A_107, %get3A_108] : memref<512x256xf32, #tpu.memory_space<vmem>>, vector<512x256xf32>
      %dot_general3A_110 = arith.constant dense<0.000000e+00> : vector<1024x256xf32>
      %dot_general3A_111 = tpu.matmul %select_n3A, %get3A_109, %dot_general3A_110 {dimension_numbers = #tpu.dot_dimension_numbers<[1], [0], [0], [1], [0, 0, 1, 1], [], []>, transpose_lhs_hint = false} : vector<1024x512xf32>, vector<512x256xf32>, vector<1024x256xf32> -> vector<1024x256xf32>
      %get3A_112 = arith.constant 0 : index
      %get3A_113 = arith.constant 0 : index
      %get3A_114 = vector.load %arg12[%get3A_112, %get3A_113] : memref<1x256xf32, #tpu.memory_space<vmem>>, vector<1x256xf32>
      %add3A_115 = vector.broadcast %get3A_114 : vector<1x256xf32> to vector<1024x256xf32>
      %add3A_116 = arith.addf %dot_general3A_111, %add3A_115 : vector<1024x256xf32>
      %ge3A_117 = vector.broadcast %get3A_2 : i32 to vector<1024x1xi32>
      %ge3A_118 = arith.cmpi sge, %add3A_8, %ge3A_117 : vector<1024x1xi32>
      %lt3A_119 = vector.broadcast %get3A_4 : i32 to vector<1024x1xi32>
      %lt3A_120 = arith.cmpi slt, %add3A_8, %lt3A_119 : vector<1024x1xi32>
      %and3A_121 = arith.andi %ge3A_118, %lt3A_120 : vector<1024x1xi1>
      %get3A_122 = arith.constant 0 : index
      %get3A_123 = arith.constant 0 : index
      %get3A_124 = vector.load %arg24[%get3A_122, %get3A_123] : memref<1024x256xf32, #tpu.memory_space<vmem>>, vector<1024x256xf32>
      %broadcast_in_dim3A_125 = vector.shape_cast %and3A_121 : vector<1024x1xi1> to vector<1024x1xi1>
      %broadcast_in_dim3A_126 = vector.broadcast %broadcast_in_dim3A_125 : vector<1024x1xi1> to vector<1024x256xi1>
      %select_n3A_127 = arith.select %broadcast_in_dim3A_126, %add3A_116, %get3A_124 : vector<1024x256xi1>, vector<1024x256xf32>
      %swap3A_128 = arith.constant 0 : index
      %swap3A_129 = arith.constant 0 : index
      %swap3A_130 = vector.load %arg24[%swap3A_128, %swap3A_129] : memref<1024x256xf32, #tpu.memory_space<vmem>>, vector<1024x256xf32>
      tpu.vector_store %arg24[%swap3A_128, %swap3A_129], %select_n3A_127 {strides = array<i32>} : memref<1024x256xf32, #tpu.memory_space<vmem>>, vector<1024x256xf32>,
    } else {
    }
    %lt3A_18 = arith.cmpi slt, %get3A_4, %add3A_1 : i32
    %gt3A_19 = arith.cmpi sgt, %get3A_6, %mul3A_0 : i32
    %and3A_20 = arith.andi %lt3A_18, %gt3A_19 : i1
    %gt3A_21 = arith.cmpi sgt, %get3A_6, %get3A_4 : i32
    %and3A_22 = arith.andi %and3A_20, %gt3A_21 : i1
    %convert_element_type3A_23 = arith.extui %and3A_22 : i1 to i32
    %cond3A_24 = arith.constant 0 : i32
    %cond3A_25 = arith.cmpi ne, %convert_element_type3A_23, %cond3A_24 : i32
    scf.if %cond3A_25 {
      %get3A_30 = arith.constant 0 : index
      %get3A_31 = arith.constant 0 : index
      %get3A_32 = vector.load %arg2[%get3A_30, %get3A_31] : memref<1024x128xi32, #tpu.memory_space<vmem>>, vector<1024x128xi32>
      %shift_left3A = arith.constant 16 : i32
      %shift_left3A_33 = vector.broadcast %shift_left3A : i32 to vector<1024x128xi32>
      %shift_left3A_34 = arith.shli %get3A_32, %shift_left3A_33 : vector<1024x128xi32>
      %bitcast_convert_type3A = tpu.bitcast %shift_left3A_34 : vector<1024x128xi32> -> vector<1024x128xf32>
      %and3A_35 = arith.constant -65536 : i32
      %and3A_36 = vector.broadcast %and3A_35 : i32 to vector<1024x128xi32>
      %and3A_37 = arith.andi %get3A_32, %and3A_36 : vector<1024x128xi32>
      %bitcast_convert_type3A_38 = tpu.bitcast %and3A_37 : vector<1024x128xi32> -> vector<1024x128xf32>
      %concatenate3A = tpu.concatenate %bitcast_convert_type3A, %bitcast_convert_type3A_38 in 1 : vector<1024x128xf32>, vector<1024x128xf32> -> vector<1024x256xf32>
      %get3A_39 = arith.constant 0 : index
      %get3A_40 = arith.constant 0 : index
      %get3A_41 = vector.load %arg13[%get3A_39, %get3A_40] : memref<256x512xf32, #tpu.memory_space<vmem>>, vector<256x512xf32>
      %dot_general3A = arith.constant dense<0.000000e+00> : vector<1024x512xf32>
      %dot_general3A_42 = tpu.matmul %concatenate3A, %get3A_41, %dot_general3A {dimension_numbers = #tpu.dot_dimension_numbers<[1], [0], [0], [1], [0, 0, 1, 1], [], []>, transpose_lhs_hint = false} : vector<1024x256xf32>, vector<256x512xf32>, vector<1024x512xf32> -> vector<1024x512xf32>
      %get3A_43 = arith.constant 0 : index
      %get3A_44 = arith.constant 0 : index
      %get3A_45 = vector.load %arg3[%get3A_43, %get3A_44] : memref<1024x128xi32, #tpu.memory_space<vmem>>, vector<1024x128xi32>
      %shift_left3A_46 = arith.constant 16 : i32
      %shift_left3A_47 = vector.broadcast %shift_left3A_46 : i32 to vector<1024x128xi32>
      %shift_left3A_48 = arith.shli %get3A_45, %shift_left3A_47 : vector<1024x128xi32>
      %bitcast_convert_type3A_49 = tpu.bitcast %shift_left3A_48 : vector<1024x128xi32> -> vector<1024x128xf32>
      %and3A_50 = arith.constant -65536 : i32
      %and3A_51 = vector.broadcast %and3A_50 : i32 to vector<1024x128xi32>
      %and3A_52 = arith.andi %get3A_45, %and3A_51 : vector<1024x128xi32>
      %bitcast_convert_type3A_53 = tpu.bitcast %and3A_52 : vector<1024x128xi32> -> vector<1024x128xf32>
      %concatenate3A_54 = tpu.concatenate %bitcast_convert_type3A_49, %bitcast_convert_type3A_53 in 1 : vector<1024x128xf32>, vector<1024x128xf32> -> vector<1024x256xf32>
      %get3A_55 = arith.constant 0 : index
      %get3A_56 = arith.constant 0 : index
      %get3A_57 = vector.load %arg14[%get3A_55, %get3A_56] : memref<256x512xf32, #tpu.memory_space<vmem>>, vector<256x512xf32>
      %dot_general3A_58 = arith.constant dense<0.000000e+00> : vector<1024x512xf32>
      %dot_general3A_59 = tpu.matmul %concatenate3A_54, %get3A_57, %dot_general3A_58 {dimension_numbers = #tpu.dot_dimension_numbers<[1], [0], [0], [1], [0, 0, 1, 1], [], []>, transpose_lhs_hint = false} : vector<1024x256xf32>, vector<256x512xf32>, vector<1024x512xf32> -> vector<1024x512xf32>
      %add3A_60 = arith.addf %dot_general3A_42, %dot_general3A_59 : vector<1024x512xf32>
      %get3A_61 = arith.constant 0 : index
      %get3A_62 = arith.constant 0 : index
      %get3A_63 = vector.load %arg15[%get3A_61, %get3A_62] : memref<1x512xf32, #tpu.memory_space<vmem>>, vector<1x512xf32>
      %add3A_64 = vector.broadcast %get3A_63 : vector<1x512xf32> to vector<1024x512xf32>
      %add3A_65 = arith.addf %add3A_60, %add3A_64 : vector<1024x512xf32>
      %ge3A = arith.constant 0.000000e+00 : f32
      %ge3A_66 = vector.broadcast %ge3A : f32 to vector<1024x512xf32>
      %ge3A_67 = arith.cmpf oge, %add3A_65, %ge3A_66 : vector<1024x512xf32>
      %mul3A_68 = arith.constant 0.00999999977 : f32
      %mul3A_69 = vector.broadcast %mul3A_68 : f32 to vector<1024x512xf32>
      %mul3A_70 = arith.mulf %mul3A_69, %add3A_65 : vector<1024x512xf32>
      %select_n3A = arith.select %ge3A_67, %add3A_65, %mul3A_70 : vector<1024x512xi1>, vector<1024x512xf32>
      %get3A_71 = arith.constant 0 : index
      %get3A_72 = arith.constant 0 : index
      %get3A_73 = vector.load %arg16[%get3A_71, %get3A_72] : memref<512x256xf32, #tpu.memory_space<vmem>>, vector<512x256xf32>
      %dot_general3A_74 = arith.constant dense<0.000000e+00> : vector<1024x256xf32>
      %dot_general3A_75 = tpu.matmul %select_n3A, %get3A_73, %dot_general3A_74 {dimension_numbers = #tpu.dot_dimension_numbers<[1], [0], [0], [1], [0, 0, 1, 1], [], []>, transpose_lhs_hint = false} : vector<1024x512xf32>, vector<512x256xf32>, vector<1024x256xf32> -> vector<1024x256xf32>
      %get3A_76 = arith.constant 0 : index
      %get3A_77 = arith.constant 0 : index
      %get3A_78 = vector.load %arg17[%get3A_76, %get3A_77] : memref<1x256xf32, #tpu.memory_space<vmem>>, vector<1x256xf32>
      %add3A_79 = vector.broadcast %get3A_78 : vector<1x256xf32> to vector<1024x256xf32>
      %add3A_80 = arith.addf %dot_general3A_75, %add3A_79 : vector<1024x256xf32>
      %ge3A_81 = vector.broadcast %get3A_4 : i32 to vector<1024x1xi32>
      %ge3A_82 = arith.cmpi sge, %add3A_8, %ge3A_81 : vector<1024x1xi32>
      %lt3A_83 = vector.broadcast %get3A_6 : i32 to vector<1024x1xi32>
      %lt3A_84 = arith.cmpi slt, %add3A_8, %lt3A_83 : vector<1024x1xi32>
      %and3A_85 = arith.andi %ge3A_82, %lt3A_84 : vector<1024x1xi1>
      %get3A_86 = arith.constant 0 : index
      %get3A_87 = arith.constant 0 : index
      %get3A_88 = vector.load %arg24[%get3A_86, %get3A_87] : memref<1024x256xf32, #tpu.memory_space<vmem>>, vector<1024x256xf32>
      %broadcast_in_dim3A_89 = vector.shape_cast %and3A_85 : vector<1024x1xi1> to vector<1024x1xi1>
      %broadcast_in_dim3A_90 = vector.broadcast %broadcast_in_dim3A_89 : vector<1024x1xi1> to vector<1024x256xi1>
      %select_n3A_91 = arith.select %broadcast_in_dim3A_90, %add3A_80, %get3A_88 : vector<1024x256xi1>, vector<1024x256xf32>
      %swap3A_92 = arith.constant 0 : index
      %swap3A_93 = arith.constant 0 : index
      %swap3A_94 = vector.load %arg24[%swap3A_92, %swap3A_93] : memref<1024x256xf32, #tpu.memory_space<vmem>>, vector<1024x256xf32>
      tpu.vector_store %arg24[%swap3A_92, %swap3A_93], %select_n3A_91 {strides = array<i32>} : memref<1024x256xf32, #tpu.memory_space<vmem>>, vector<1024x256xf32>,
    } else {
    }
    %lt3A_26 = arith.cmpi slt, %get3A_6, %add3A_1 : i32
    %convert_element_type3A_27 = arith.extui %lt3A_26 : i1 to i32
    %cond3A_28 = arith.constant 0 : i32
    %cond3A_29 = arith.cmpi ne, %convert_element_type3A_27, %cond3A_28 : i32
    scf.if %cond3A_29 {
      %get3A_30 = arith.constant 0 : index
      %get3A_31 = arith.constant 0 : index
      %get3A_32 = vector.load %arg2[%get3A_30, %get3A_31] : memref<1024x128xi32, #tpu.memory_space<vmem>>, vector<1024x128xi32>
      %shift_left3A = arith.constant 16 : i32
      %shift_left3A_33 = vector.broadcast %shift_left3A : i32 to vector<1024x128xi32>
      %shift_left3A_34 = arith.shli %get3A_32, %shift_left3A_33 : vector<1024x128xi32>
      %bitcast_convert_type3A = tpu.bitcast %shift_left3A_34 : vector<1024x128xi32> -> vector<1024x128xf32>
      %and3A_35 = arith.constant -65536 : i32
      %and3A_36 = vector.broadcast %and3A_35 : i32 to vector<1024x128xi32>
      %and3A_37 = arith.andi %get3A_32, %and3A_36 : vector<1024x128xi32>
      %bitcast_convert_type3A_38 = tpu.bitcast %and3A_37 : vector<1024x128xi32> -> vector<1024x128xf32>
      %concatenate3A = tpu.concatenate %bitcast_convert_type3A, %bitcast_convert_type3A_38 in 1 : vector<1024x128xf32>, vector<1024x128xf32> -> vector<1024x256xf32>
      %get3A_39 = arith.constant 0 : index
      %get3A_40 = arith.constant 0 : index
      %get3A_41 = vector.load %arg18[%get3A_39, %get3A_40] : memref<256x512xf32, #tpu.memory_space<vmem>>, vector<256x512xf32>
      %dot_general3A = arith.constant dense<0.000000e+00> : vector<1024x512xf32>
      %dot_general3A_42 = tpu.matmul %concatenate3A, %get3A_41, %dot_general3A {dimension_numbers = #tpu.dot_dimension_numbers<[1], [0], [0], [1], [0, 0, 1, 1], [], []>, transpose_lhs_hint = false} : vector<1024x256xf32>, vector<256x512xf32>, vector<1024x512xf32> -> vector<1024x512xf32>
      %get3A_43 = arith.constant 0 : index
      %get3A_44 = arith.constant 0 : index
      %get3A_45 = vector.load %arg3[%get3A_43, %get3A_44] : memref<1024x128xi32, #tpu.memory_space<vmem>>, vector<1024x128xi32>
      %shift_left3A_46 = arith.constant 16 : i32
      %shift_left3A_47 = vector.broadcast %shift_left3A_46 : i32 to vector<1024x128xi32>
      %shift_left3A_48 = arith.shli %get3A_45, %shift_left3A_47 : vector<1024x128xi32>
      %bitcast_convert_type3A_49 = tpu.bitcast %shift_left3A_48 : vector<1024x128xi32> -> vector<1024x128xf32>
      %and3A_50 = arith.constant -65536 : i32
      %and3A_51 = vector.broadcast %and3A_50 : i32 to vector<1024x128xi32>
      %and3A_52 = arith.andi %get3A_45, %and3A_51 : vector<1024x128xi32>
      %bitcast_convert_type3A_53 = tpu.bitcast %and3A_52 : vector<1024x128xi32> -> vector<1024x128xf32>
      %concatenate3A_54 = tpu.concatenate %bitcast_convert_type3A_49, %bitcast_convert_type3A_53 in 1 : vector<1024x128xf32>, vector<1024x128xf32> -> vector<1024x256xf32>
      %get3A_55 = arith.constant 0 : index
      %get3A_56 = arith.constant 0 : index
      %get3A_57 = vector.load %arg19[%get3A_55, %get3A_56] : memref<256x512xf32, #tpu.memory_space<vmem>>, vector<256x512xf32>
      %dot_general3A_58 = arith.constant dense<0.000000e+00> : vector<1024x512xf32>
      %dot_general3A_59 = tpu.matmul %concatenate3A_54, %get3A_57, %dot_general3A_58 {dimension_numbers = #tpu.dot_dimension_numbers<[1], [0], [0], [1], [0, 0, 1, 1], [], []>, transpose_lhs_hint = false} : vector<1024x256xf32>, vector<256x512xf32>, vector<1024x512xf32> -> vector<1024x512xf32>
      %add3A_60 = arith.addf %dot_general3A_42, %dot_general3A_59 : vector<1024x512xf32>
      %get3A_61 = arith.constant 0 : index
      %get3A_62 = arith.constant 0 : index
      %get3A_63 = vector.load %arg20[%get3A_61, %get3A_62] : memref<1x512xf32, #tpu.memory_space<vmem>>, vector<1x512xf32>
      %add3A_64 = vector.broadcast %get3A_63 : vector<1x512xf32> to vector<1024x512xf32>
      %add3A_65 = arith.addf %add3A_60, %add3A_64 : vector<1024x512xf32>
      %ge3A = arith.constant 0.000000e+00 : f32
      %ge3A_66 = vector.broadcast %ge3A : f32 to vector<1024x512xf32>
      %ge3A_67 = arith.cmpf oge, %add3A_65, %ge3A_66 : vector<1024x512xf32>
      %mul3A_68 = arith.constant 0.00999999977 : f32
      %mul3A_69 = vector.broadcast %mul3A_68 : f32 to vector<1024x512xf32>
      %mul3A_70 = arith.mulf %mul3A_69, %add3A_65 : vector<1024x512xf32>
      %select_n3A = arith.select %ge3A_67, %add3A_65, %mul3A_70 : vector<1024x512xi1>, vector<1024x512xf32>
      %get3A_71 = arith.constant 0 : index
      %get3A_72 = arith.constant 0 : index
      %get3A_73 = vector.load %arg21[%get3A_71, %get3A_72] : memref<512x256xf32, #tpu.memory_space<vmem>>, vector<512x256xf32>
      %dot_general3A_74 = arith.constant dense<0.000000e+00> : vector<1024x256xf32>
      %dot_general3A_75 = tpu.matmul %select_n3A, %get3A_73, %dot_general3A_74 {dimension_numbers = #tpu.dot_dimension_numbers<[1], [0], [0], [1], [0, 0, 1, 1], [], []>, transpose_lhs_hint = false} : vector<1024x512xf32>, vector<512x256xf32>, vector<1024x256xf32> -> vector<1024x256xf32>
      %get3A_76 = arith.constant 0 : index
      %get3A_77 = arith.constant 0 : index
      %get3A_78 = vector.load %arg22[%get3A_76, %get3A_77] : memref<1x256xf32, #tpu.memory_space<vmem>>, vector<1x256xf32>
      %add3A_79 = vector.broadcast %get3A_78 : vector<1x256xf32> to vector<1024x256xf32>
      %add3A_80 = arith.addf %dot_general3A_75, %add3A_79 : vector<1024x256xf32>
      %ge3A_81 = vector.broadcast %get3A_6 : i32 to vector<1024x1xi32>
      %ge3A_82 = arith.cmpi sge, %add3A_8, %ge3A_81 : vector<1024x1xi32>
      %get3A_83 = arith.constant 0 : index
      %get3A_84 = arith.constant 0 : index
      %get3A_85 = vector.load %arg24[%get3A_83, %get3A_84] : memref<1024x256xf32, #tpu.memory_space<vmem>>, vector<1024x256xf32>
      %broadcast_in_dim3A_86 = vector.shape_cast %ge3A_82 : vector<1024x1xi1> to vector<1024x1xi1>
      %broadcast_in_dim3A_87 = vector.broadcast %broadcast_in_dim3A_86 : vector<1024x1xi1> to vector<1024x256xi1>
      %select_n3A_88 = arith.select %broadcast_in_dim3A_87, %add3A_80, %get3A_85 : vector<1024x256xi1>, vector<1024x256xf32>
      %swap3A_89 = arith.constant 0 : index
      %swap3A_90 = arith.constant 0 : index
      %swap3A_91 = vector.load %arg24[%swap3A_89, %swap3A_90] : memref<1024x256xf32, #tpu.memory_space<vmem>>, vector<1024x256xf32>
      tpu.vector_store %arg24[%swap3A_89, %swap3A_90], %select_n3A_88 {strides = array<i32>} : memref<1024x256xf32, #tpu.memory_space<vmem>>, vector<1024x256xf32>,
    } else {
    }
    return
  }
  func.func @transform_0(%arg0: i32, %arg1: memref<3xi32, #tpu.memory_space<smem>>) -> (i32, i32) {
    %get3A = arith.constant 0 : index
    %get3A_0 = memref.load %arg1[%get3A] : memref<3xi32, #tpu.memory_space<smem>>
    %jit3A = arith.constant 1024 : i32
    %div3A = arith.divsi %get3A_0, %jit3A : i32
    %sign3A = arith.constant 0 : i32
    %sign3A_1 = arith.cmpi sgt, %get3A_0, %sign3A : i32
    %sign3A_2 = arith.extui %sign3A_1 : i1 to i32
    %sign3A_3 = arith.constant 0 : i32
    %sign3A_4 = arith.cmpi slt, %get3A_0, %sign3A_3 : i32
    %sign3A_5 = arith.extui %sign3A_4 : i1 to i32
    %sign3A_6 = arith.subi %sign3A_2, %sign3A_5 : i32
    %sign3A_7 = arith.constant 0 : i32
    %sign3A_8 = arith.cmpi sgt, %jit3A, %sign3A_7 : i32
    %sign3A_9 = arith.extui %sign3A_8 : i1 to i32
    %sign3A_10 = arith.constant 0 : i32
    %sign3A_11 = arith.cmpi slt, %jit3A, %sign3A_10 : i32
    %sign3A_12 = arith.extui %sign3A_11 : i1 to i32
    %sign3A_13 = arith.subi %sign3A_9, %sign3A_12 : i32
    %ne3A = arith.cmpi ne, %sign3A_6, %sign3A_13 : i32
    %rem3A = arith.remsi %get3A_0, %jit3A : i32
    %ne3A_14 = arith.constant 0 : i32
    %ne3A_15 = arith.cmpi ne, %rem3A, %ne3A_14 : i32
    %and3A = arith.andi %ne3A, %ne3A_15 : i1
    %sub3A = arith.constant 1 : i32
    %sub3A_16 = arith.subi %div3A, %sub3A : i32
    %select_n3A = arith.select %and3A, %sub3A_16, %div3A : i32
    %max3A = arith.maxsi %arg0, %select_n3A : i32
    %min3A = arith.constant 7 : i32
    %min3A_17 = arith.minsi %max3A, %min3A : i32
    %c0_i32 = arith.constant 0 : i32
    %c0_i32_18 = arith.constant 0 : i32
    return %min3A_17, %c0_i32 : i32, i32
  }
  func.func @transform_1(%arg0: i32, %arg1: memref<3xi32, #tpu.memory_space<smem>>) -> (i32, i32) {
    %get3A = arith.constant 0 : index
    %get3A_0 = memref.load %arg1[%get3A] : memref<3xi32, #tpu.memory_space<smem>>
    %jit3A = arith.constant 1024 : i32
    %div3A = arith.divsi %get3A_0, %jit3A : i32
    %sign3A = arith.constant 0 : i32
    %sign3A_1 = arith.cmpi sgt, %get3A_0, %sign3A : i32
    %sign3A_2 = arith.extui %sign3A_1 : i1 to i32
    %sign3A_3 = arith.constant 0 : i32
    %sign3A_4 = arith.cmpi slt, %get3A_0, %sign3A_3 : i32
    %sign3A_5 = arith.extui %sign3A_4 : i1 to i32
    %sign3A_6 = arith.subi %sign3A_2, %sign3A_5 : i32
    %sign3A_7 = arith.constant 0 : i32
    %sign3A_8 = arith.cmpi sgt, %jit3A, %sign3A_7 : i32
    %sign3A_9 = arith.extui %sign3A_8 : i1 to i32
    %sign3A_10 = arith.constant 0 : i32
    %sign3A_11 = arith.cmpi slt, %jit3A, %sign3A_10 : i32
    %sign3A_12 = arith.extui %sign3A_11 : i1 to i32
    %sign3A_13 = arith.subi %sign3A_9, %sign3A_12 : i32
    %ne3A = arith.cmpi ne, %sign3A_6, %sign3A_13 : i32
    %rem3A = arith.remsi %get3A_0, %jit3A : i32
    %ne3A_14 = arith.constant 0 : i32
    %ne3A_15 = arith.cmpi ne, %rem3A, %ne3A_14 : i32
    %and3A = arith.andi %ne3A, %ne3A_15 : i1
    %sub3A = arith.constant 1 : i32
    %sub3A_16 = arith.subi %div3A, %sub3A : i32
    %select_n3A = arith.select %and3A, %sub3A_16, %div3A : i32
    %max3A = arith.maxsi %arg0, %select_n3A : i32
    %min3A = arith.constant 7 : i32
    %min3A_17 = arith.minsi %max3A, %min3A : i32
    %c0_i32 = arith.constant 0 : i32
    %c0_i32_18 = arith.constant 0 : i32
    return %min3A_17, %c0_i32 : i32, i32
  }
  func.func @transform_2(%arg0: i32, %arg1: memref<3xi32, #tpu.memory_space<smem>>) -> (i32, i32) {
    %get3A = arith.constant 0 : index
    %get3A_0 = memref.load %arg1[%get3A] : memref<3xi32, #tpu.memory_space<smem>>
    %jit3A = arith.constant 1024 : i32
    %div3A = arith.divsi %get3A_0, %jit3A : i32
    %sign3A = arith.constant 0 : i32
    %sign3A_1 = arith.cmpi sgt, %get3A_0, %sign3A : i32
    %sign3A_2 = arith.extui %sign3A_1 : i1 to i32
    %sign3A_3 = arith.constant 0 : i32
    %sign3A_4 = arith.cmpi slt, %get3A_0, %sign3A_3 : i32
    %sign3A_5 = arith.extui %sign3A_4 : i1 to i32
    %sign3A_6 = arith.subi %sign3A_2, %sign3A_5 : i32
    %sign3A_7 = arith.constant 0 : i32
    %sign3A_8 = arith.cmpi sgt, %jit3A, %sign3A_7 : i32
    %sign3A_9 = arith.extui %sign3A_8 : i1 to i32
    %sign3A_10 = arith.constant 0 : i32
    %sign3A_11 = arith.cmpi slt, %jit3A, %sign3A_10 : i32
    %sign3A_12 = arith.extui %sign3A_11 : i1 to i32
    %sign3A_13 = arith.subi %sign3A_9, %sign3A_12 : i32
    %ne3A = arith.cmpi ne, %sign3A_6, %sign3A_13 : i32
    %rem3A = arith.remsi %get3A_0, %jit3A : i32
    %ne3A_14 = arith.constant 0 : i32
    %ne3A_15 = arith.cmpi ne, %rem3A, %ne3A_14 : i32
    %and3A = arith.andi %ne3A, %ne3A_15 : i1
    %sub3A = arith.constant 1 : i32
    %sub3A_16 = arith.subi %div3A, %sub3A : i32
    %select_n3A = arith.select %and3A, %sub3A_16, %div3A : i32
    %get3A_17 = arith.constant 0 : index
    %get3A_18 = memref.load %arg1[%get3A_17] : memref<3xi32, #tpu.memory_space<smem>>
    %get3A_19 = arith.constant 1 : index
    %get3A_20 = memref.load %arg1[%get3A_19] : memref<3xi32, #tpu.memory_space<smem>>
    %sub3A_21 = arith.constant 1 : i32
    %sub3A_22 = arith.subi %get3A_20, %sub3A_21 : i32
    %max3A = arith.maxsi %get3A_18, %sub3A_22 : i32
    %jit3A_23 = arith.constant 1024 : i32
    %div3A_24 = arith.divsi %max3A, %jit3A_23 : i32
    %sign3A_25 = arith.constant 0 : i32
    %sign3A_26 = arith.cmpi sgt, %max3A, %sign3A_25 : i32
    %sign3A_27 = arith.extui %sign3A_26 : i1 to i32
    %sign3A_28 = arith.constant 0 : i32
    %sign3A_29 = arith.cmpi slt, %max3A, %sign3A_28 : i32
    %sign3A_30 = arith.extui %sign3A_29 : i1 to i32
    %sign3A_31 = arith.subi %sign3A_27, %sign3A_30 : i32
    %sign3A_32 = arith.constant 0 : i32
    %sign3A_33 = arith.cmpi sgt, %jit3A_23, %sign3A_32 : i32
    %sign3A_34 = arith.extui %sign3A_33 : i1 to i32
    %sign3A_35 = arith.constant 0 : i32
    %sign3A_36 = arith.cmpi slt, %jit3A_23, %sign3A_35 : i32
    %sign3A_37 = arith.extui %sign3A_36 : i1 to i32
    %sign3A_38 = arith.subi %sign3A_34, %sign3A_37 : i32
    %ne3A_39 = arith.cmpi ne, %sign3A_31, %sign3A_38 : i32
    %rem3A_40 = arith.remsi %max3A, %jit3A_23 : i32
    %ne3A_41 = arith.constant 0 : i32
    %ne3A_42 = arith.cmpi ne, %rem3A_40, %ne3A_41 : i32
    %and3A_43 = arith.andi %ne3A_39, %ne3A_42 : i1
    %sub3A_44 = arith.constant 1 : i32
    %sub3A_45 = arith.subi %div3A_24, %sub3A_44 : i32
    %select_n3A_46 = arith.select %and3A_43, %sub3A_45, %div3A_24 : i32
    %max3A_47 = arith.maxsi %select_n3A, %select_n3A_46 : i32
    %max3A_48 = arith.maxsi %select_n3A, %arg0 : i32
    %min3A = arith.minsi %max3A_47, %max3A_48 : i32
    %min3A_49 = arith.constant 7 : i32
    %min3A_50 = arith.minsi %min3A, %min3A_49 : i32
    %c0_i32 = arith.constant 0 : i32
    %c0_i32_51 = arith.constant 0 : i32
    return %min3A_50, %c0_i32 : i32, i32
  }
  func.func @transform_3(%arg0: i32, %arg1: memref<3xi32, #tpu.memory_space<smem>>) -> (i32, i32) {
    %get3A = arith.constant 0 : index
    %get3A_0 = memref.load %arg1[%get3A] : memref<3xi32, #tpu.memory_space<smem>>
    %jit3A = arith.constant 1024 : i32
    %div3A = arith.divsi %get3A_0, %jit3A : i32
    %sign3A = arith.constant 0 : i32
    %sign3A_1 = arith.cmpi sgt, %get3A_0, %sign3A : i32
    %sign3A_2 = arith.extui %sign3A_1 : i1 to i32
    %sign3A_3 = arith.constant 0 : i32
    %sign3A_4 = arith.cmpi slt, %get3A_0, %sign3A_3 : i32
    %sign3A_5 = arith.extui %sign3A_4 : i1 to i32
    %sign3A_6 = arith.subi %sign3A_2, %sign3A_5 : i32
    %sign3A_7 = arith.constant 0 : i32
    %sign3A_8 = arith.cmpi sgt, %jit3A, %sign3A_7 : i32
    %sign3A_9 = arith.extui %sign3A_8 : i1 to i32
    %sign3A_10 = arith.constant 0 : i32
    %sign3A_11 = arith.cmpi slt, %jit3A, %sign3A_10 : i32
    %sign3A_12 = arith.extui %sign3A_11 : i1 to i32
    %sign3A_13 = arith.subi %sign3A_9, %sign3A_12 : i32
    %ne3A = arith.cmpi ne, %sign3A_6, %sign3A_13 : i32
    %rem3A = arith.remsi %get3A_0, %jit3A : i32
    %ne3A_14 = arith.constant 0 : i32
    %ne3A_15 = arith.cmpi ne, %rem3A, %ne3A_14 : i32
    %and3A = arith.andi %ne3A, %ne3A_15 : i1
    %sub3A = arith.constant 1 : i32
    %sub3A_16 = arith.subi %div3A, %sub3A : i32
    %select_n3A = arith.select %and3A, %sub3A_16, %div3A : i32
    %get3A_17 = arith.constant 0 : index
    %get3A_18 = memref.load %arg1[%get3A_17] : memref<3xi32, #tpu.memory_space<smem>>
    %get3A_19 = arith.constant 1 : index
    %get3A_20 = memref.load %arg1[%get3A_19] : memref<3xi32, #tpu.memory_space<smem>>
    %sub3A_21 = arith.constant 1 : i32
    %sub3A_22 = arith.subi %get3A_20, %sub3A_21 : i32
    %max3A = arith.maxsi %get3A_18, %sub3A_22 : i32
    %jit3A_23 = arith.constant 1024 : i32
    %div3A_24 = arith.divsi %max3A, %jit3A_23 : i32
    %sign3A_25 = arith.constant 0 : i32
    %sign3A_26 = arith.cmpi sgt, %max3A, %sign3A_25 : i32
    %sign3A_27 = arith.extui %sign3A_26 : i1 to i32
    %sign3A_28 = arith.constant 0 : i32
    %sign3A_29 = arith.cmpi slt, %max3A, %sign3A_28 : i32
    %sign3A_30 = arith.extui %sign3A_29 : i1 to i32
    %sign3A_31 = arith.subi %sign3A_27, %sign3A_30 : i32
    %sign3A_32 = arith.constant 0 : i32
    %sign3A_33 = arith.cmpi sgt, %jit3A_23, %sign3A_32 : i32
    %sign3A_34 = arith.extui %sign3A_33 : i1 to i32
    %sign3A_35 = arith.constant 0 : i32
    %sign3A_36 = arith.cmpi slt, %jit3A_23, %sign3A_35 : i32
    %sign3A_37 = arith.extui %sign3A_36 : i1 to i32
    %sign3A_38 = arith.subi %sign3A_34, %sign3A_37 : i32
    %ne3A_39 = arith.cmpi ne, %sign3A_31, %sign3A_38 : i32
    %rem3A_40 = arith.remsi %max3A, %jit3A_23 : i32
    %ne3A_41 = arith.constant 0 : i32
    %ne3A_42 = arith.cmpi ne, %rem3A_40, %ne3A_41 : i32
    %and3A_43 = arith.andi %ne3A_39, %ne3A_42 : i1
    %sub3A_44 = arith.constant 1 : i32
    %sub3A_45 = arith.subi %div3A_24, %sub3A_44 : i32
    %select_n3A_46 = arith.select %and3A_43, %sub3A_45, %div3A_24 : i32
    %max3A_47 = arith.maxsi %select_n3A, %select_n3A_46 : i32
    %max3A_48 = arith.maxsi %select_n3A, %arg0 : i32
    %min3A = arith.minsi %max3A_47, %max3A_48 : i32
    %min3A_49 = arith.constant 7 : i32
    %min3A_50 = arith.minsi %min3A, %min3A_49 : i32
    %c0_i32 = arith.constant 0 : i32
    %c0_i32_51 = arith.constant 0 : i32
    return %min3A_50, %c0_i32 : i32, i32
  }
  func.func @transform_4(%arg0: i32, %arg1: memref<3xi32, #tpu.memory_space<smem>>) -> (i32, i32) {
    %c0_i32 = arith.constant 0 : i32
    %c0_i32_0 = arith.constant 0 : i32
    %c0_i32_1 = arith.constant 0 : i32
    return %c0_i32, %c0_i32_0 : i32, i32
  }
  func.func @transform_5(%arg0: i32, %arg1: memref<3xi32, #tpu.memory_space<smem>>) -> (i32, i32) {
    %c1_i32 = arith.constant 1 : i32
    %c0_i32 = arith.constant 0 : i32
    %c0_i32_0 = arith.constant 0 : i32
    return %c1_i32, %c0_i32 : i32, i32
  }
  func.func @transform_6(%arg0: i32, %arg1: memref<3xi32, #tpu.memory_space<smem>>) -> (i32, i32) {
    %c2_i32 = arith.constant 2 : i32
    %c0_i32 = arith.constant 0 : i32
    %c0_i32_0 = arith.constant 0 : i32
    return %c2_i32, %c0_i32 : i32, i32
  }
  func.func @transform_7(%arg0: i32, %arg1: memref<3xi32, #tpu.memory_space<smem>>) -> (i32, i32) {
    %c3_i32 = arith.constant 3 : i32
    %c0_i32 = arith.constant 0 : i32
    %c0_i32_0 = arith.constant 0 : i32
    return %c3_i32, %c0_i32 : i32, i32
  }
  func.func @transform_8(%arg0: i32, %arg1: memref<3xi32, #tpu.memory_space<smem>>) -> (i32, i32) {
    %c0_i32 = arith.constant 0 : i32
    %c0_i32_0 = arith.constant 0 : i32
    %c0_i32_1 = arith.constant 0 : i32
    return %c0_i32, %c0_i32_0 : i32, i32
  }
  func.func @transform_9(%arg0: i32, %arg1: memref<3xi32, #tpu.memory_space<smem>>) -> (i32, i32) {
    %c0_i32 = arith.constant 0 : i32
    %c0_i32_0 = arith.constant 0 : i32
    %c0_i32_1 = arith.constant 0 : i32
    return %c0_i32, %c0_i32_0 : i32, i32
  }
  func.func @transform_10(%arg0: i32, %arg1: memref<3xi32, #tpu.memory_space<smem>>) -> (i32, i32) {
    %c0_i32 = arith.constant 0 : i32
    %c0_i32_0 = arith.constant 0 : i32
    %c0_i32_1 = arith.constant 0 : i32
    return %c0_i32, %c0_i32_0 : i32, i32
  }
  func.func @transform_11(%arg0: i32, %arg1: memref<3xi32, #tpu.memory_space<smem>>) -> (i32, i32) {
    %c0_i32 = arith.constant 0 : i32
    %c0_i32_0 = arith.constant 0 : i32
    %c0_i32_1 = arith.constant 0 : i32
    return %c0_i32, %c0_i32_0 : i32, i32
  }
  func.func @transform_12(%arg0: i32, %arg1: memref<3xi32, #tpu.memory_space<smem>>) -> (i32, i32) {
    %c1_i32 = arith.constant 1 : i32
    %c0_i32 = arith.constant 0 : i32
    %c0_i32_0 = arith.constant 0 : i32
    return %c1_i32, %c0_i32 : i32, i32
  }
  func.func @transform_13(%arg0: i32, %arg1: memref<3xi32, #tpu.memory_space<smem>>) -> (i32, i32) {
    %c0_i32 = arith.constant 0 : i32
    %c0_i32_0 = arith.constant 0 : i32
    %c0_i32_1 = arith.constant 0 : i32
    return %c0_i32, %c0_i32_0 : i32, i32
  }
  func.func @transform_14(%arg0: i32, %arg1: memref<3xi32, #tpu.memory_space<smem>>) -> (i32, i32) {
    %c0_i32 = arith.constant 0 : i32
    %c0_i32_0 = arith.constant 0 : i32
    %c0_i32_1 = arith.constant 0 : i32
    return %c0_i32, %c0_i32_0 : i32, i32
  }
  func.func @transform_15(%arg0: i32, %arg1: memref<3xi32, #tpu.memory_space<smem>>) -> (i32, i32) {
    %c0_i32 = arith.constant 0 : i32
    %c0_i32_0 = arith.constant 0 : i32
    %c0_i32_1 = arith.constant 0 : i32
    return %c0_i32, %c0_i32_0 : i32, i32
  }
  func.func @transform_16(%arg0: i32, %arg1: memref<3xi32, #tpu.memory_space<smem>>) -> (i32, i32) {
    %c0_i32 = arith.constant 0 : i32
    %c0_i32_0 = arith.constant 0 : i32
    %c0_i32_1 = arith.constant 0 : i32
    return %c0_i32, %c0_i32_0 : i32, i32
  }
  func.func @transform_17(%arg0: i32, %arg1: memref<3xi32, #tpu.memory_space<smem>>) -> (i32, i32) {
    %c1_i32 = arith.constant 1 : i32
    %c0_i32 = arith.constant 0 : i32
    %c0_i32_0 = arith.constant 0 : i32
    return %c1_i32, %c0_i32 : i32, i32
  }
  func.func @transform_18(%arg0: i32, %arg1: memref<3xi32, #tpu.memory_space<smem>>) -> (i32, i32) {
    %c0_i32 = arith.constant 0 : i32
    %c0_i32_0 = arith.constant 0 : i32
    %c0_i32_1 = arith.constant 0 : i32
    return %c0_i32, %c0_i32_0 : i32, i32
  }
  func.func @transform_19(%arg0: i32, %arg1: memref<3xi32, #tpu.memory_space<smem>>) -> (i32, i32) {
    %c0_i32 = arith.constant 0 : i32
    %c0_i32_0 = arith.constant 0 : i32
    %c0_i32_1 = arith.constant 0 : i32
    return %c0_i32, %c0_i32_0 : i32, i32
  }
  func.func @transform_20(%arg0: i32, %arg1: memref<3xi32, #tpu.memory_space<smem>>) -> (i32, i32) {
    %c0_i32 = arith.constant 0 : i32
    %c0_i32_0 = arith.constant 0 : i32
    %c0_i32_1 = arith.constant 0 : i32
    return %c0_i32, %c0_i32_0 : i32, i32
  }
  func.func @transform_21(%arg0: i32, %arg1: memref<3xi32, #tpu.memory_space<smem>>) -> (i32, i32) {
    %c0_i32 = arith.constant 0 : i32
    %c0_i32_0 = arith.constant 0 : i32
    %c0_i32_1 = arith.constant 0 : i32
    return %c0_i32, %c0_i32_0 : i32, i32
  }
  func.func @transform_22(%arg0: i32, %arg1: memref<3xi32, #tpu.memory_space<smem>>) -> (i32, i32) {
    %c0_i32 = arith.constant 0 : i32
    %c0_i32_0 = arith.constant 0 : i32
    return %arg0, %c0_i32 : i32, i32
  }
}

</mosaic_0001>

<sc_bundles>
// kernel: kernel.5.cloned.1.call-start
scs
__scs_entry_jumppad:
0x0: {  	(pc) =	sbr.rel $0x88, $3  }
0x1: {  	(tag) =	ssettag $0x0;
	lr =	simm.s32 $0x1  }
0x2: {  	[smem:$0x3F8C] =	sst lr;
	_ =	strace $0xD0000000  }
0x3: {  	_ = 	snop  }
0x4: {  	_ = 	snop  }
0x5: {  	_ = 	snop  }
0x6: {  	_ = 	snop  }
0x7: {  	_ = 	snop  }
__scs_overlays_trampoline_lowered:
0x8: {  	[smem:$0x3F9B] =	sst s0  }
0x9: {  	[smem:$0x3F9C] =	sst s1  }
0xa: {  	[smem:$0x3F9D] =	sst s2  }
0xb: {  	[smem:$0x3F9E] =	sst s3  }
0xc: {  	[smem:$0x3F9F] =	sst s4  }
0xd: {  	[smem:$0x3FA0] =	sst s5  }
0xe: {  	[smem:$0x3FA1] =	sst s6  }
0xf: {  	[smem:$0x3FA2] =	sst s7  }
0x10: {  	[smem:$0x3FA3] =	sst s8  }
0x11: {  	[smem:$0x3FA4] =	sst s9;
	s0 =	simm.s32 @!p0 $0x0  }
0x12: {  	s1 =	sld [smem:$0x3F8A];
	s0 =	simm.s32 @p0 $0x1  }
0x13: {  	[smem:$0x3FA5] =	sst s0;
	s0 =	simm.s32 @!p1 $0x0  }
0x14: {  	s2 =	sld [smem:$0x3F89];
	s0 =	simm.s32 @p1 $0x1  }
0x15: {  	[smem:$0x3FA6] =	sst s0;
	s0 =	simm.s32 @!p2 $0x0  }
0x16: {  	s3 =	sld [smem:$0x3FDB];
	s0 =	simm.s32 @p2 $0x1  }
0x17: {  	s4 =	simm.s32 $0x1BF5;
	[smem:$0x3FA8] =	sst s0  }
0x18: {  	s0 =	sld [smem:$0x3F8B];
	_ =	swait.ge [sflag:s4], $0x0  }
0x19: {  	s7 =	sld [smem:$0x3F8C]  }
0x1a: {  	s8 =	sadd.s32 $0xFFFFE003, lr  }
0x1b: {  	s9 =	sadd.s32 $0xFFFFFEF7, lr;
	s5 =	simm.s32 $0xFFFFFFFF;
	p2 =	slt.u32 s8, $0xFFFFF086  }
0x1c: {  	p1 =	slt.u32 s9, $0xF7A;
	s5 =	simm.s32 @!p2 $0x0  }
0x1d: {  	s5 =	simm.s32 @p1 $0x1;
	p0 =	seq.s32 s7, s2  }
0x1e: {  	s7 =	smul.u32 @!p0 $0xF7A, s2;
	p2 =	seq.s32 @!p0 s5, $0x0  }
0x1f: {  	s9 =	smul.u32 $0xF7A, s1;
	s8 =	simm.s32 @!p0 $0x1BF5;
	p2 =	por !p2, p0  }
0x20: {  	[sflag:s8] =	ssyncset.s32 @!p0 $0xFFFFF086;
	s6 =	sadd.s32 @!p0 s3, s7;
	s7 =	simm.s32 @!p0 $0x108  }
0x21: {  	s3 =	sadd.s32 s3, s9;
	s6 =	sadd.s32 @!p0 $0x88, s6;
	s7 =	simm.s32 @p2 $0x1082  }
0x22: {  	[simem:s7], [sflag:s8] =	dma.local @!p0 [hbm:s6], $0xF7A  }
0x23: {  	s9 =	sor.u32 $0xD0000000, s2;
	s6 =	simm.s32 $0x108;
	_ =	swait.ge @!p0 [sflag:s8], $0x0  }
0x24: {  	s3 =	sadd.s32 $0x88, s3;
	s6 =	simm.s32 @!p1 $0x1082;
	[sflag:s4] =	ssyncset.s32 $0xFFFFF086  }
0x25: {  	[simem:s6], [sflag:s4] =	dma.local [hbm:s3], $0xF7A  }
0x26: {  	[smem:$0x3F8C] =	sst s1;
	(tag) =	ssettag s2;
	_ =	strace s9  }
0x27: {  	s1 =	sld [smem:$0x3F9C]  }
0x28: {  	s2 =	sld [smem:$0x3F9D]  }
0x29: {  	s4 =	sld [smem:$0x3F9F]  }
0x2a: {  	p0 =	seq.s32 s5, $0x0;
	s5 =	sld [smem:$0x3FA0]  }
0x2b: {  	s6 =	sld [smem:$0x3FA1]  }
0x2c: {  	s7 =	sld [smem:$0x3FA2]  }
0x2d: {  	s3 =	simm.s32 $0x108;
	s8 =	sld [smem:$0x3FA3]  }
0x2e: {  	s3 =	simm.s32 @!p0 $0x1082;
	s9 =	sld [smem:$0x3FA4]  }
0x2f: {  	lr =	sadd.s32 s0, s3;
	s0 =	sld [smem:$0x3F9B]  }
0x30: {  	s3 =	sld [smem:$0x3F9E]  }
0x31: {  	[smem:$0x3FA7] =	sst s10  }
0x32: {  	s10 =	sld [smem:$0x3FA5];
	_ =	sdelay $0x3  }
0x33: {  	p0 =	seq.s32 s10, $0x1;
	s10 =	sld [smem:$0x3FA7];
	_ =	sdelay $0x3  }
0x34: {  	[smem:$0x3FA7] =	sst s10  }
0x35: {  	s10 =	sld [smem:$0x3FA6];
	_ =	sdelay $0x3  }
0x36: {  	p1 =	seq.s32 s10, $0x1;
	s10 =	sld [smem:$0x3FA7];
	_ =	sdelay $0x3  }
0x37: {  	[smem:$0x3FA7] =	sst s10  }
0x38: {  	s10 =	sld [smem:$0x3FA8]  }
0x39: {  	_ = 	snop;
	(pc) =	sbr.ind lr, $3  }
0x3a: {  	_ = 	snop  }
0x3b: {  	_ = 	snop  }
0x3c: {  	p2 =	seq.s32 s10, $0x1;
	s10 =	sld [smem:$0x3FA7]  }
0x3d: {  	_ =	shalt  }
0x3e: {  	_ =	shalt  }
0x3f: {  	_ =	shalt  }
0x40: {  	_ =	shalt  }
0x41: {  	_ =	shalt  }
0x42: {  	_ =	shalt  }
0x43: {  	_ =	shalt  }
0x44: {  	_ =	shalt  }
0x45: {  	_ =	shalt  }
0x46: {  	_ =	shalt  }
0x47: {  	_ =	shalt  }
0x48: {  	_ =	shalt  }
0x49: {  	_ =	shalt  }
0x4a: {  	_ =	shalt  }
0x4b: {  	_ =	shalt  }
0x4c: {  	_ =	shalt  }
0x4d: {  	_ =	shalt  }
0x4e: {  	_ =	shalt  }
0x4f: {  	_ =	shalt  }
0x50: {  	_ =	shalt  }
0x51: {  	_ =	shalt  }
0x52: {  	_ =	shalt  }
0x53: {  	_ =	shalt  }
0x54: {  	_ =	shalt  }
0x55: {  	_ =	shalt  }
0x56: {  	_ =	shalt  }
0x57: {  	_ =	shalt  }
0x58: {  	_ =	shalt  }
0x59: {  	_ =	shalt  }
0x5a: {  	_ =	shalt  }
0x5b: {  	_ =	shalt  }
0x5c: {  	_ =	shalt  }
0x5d: {  	_ =	shalt  }
0x5e: {  	_ =	shalt  }
0x5f: {  	_ =	shalt  }
0x60: {  	_ =	shalt  }
0x61: {  	_ =	shalt  }
0x62: {  	_ =	shalt  }
0x63: {  	_ =	shalt  }
0x64: {  	_ =	shalt  }
0x65: {  	_ =	shalt  }
0x66: {  	_ =	shalt  }
0x67: {  	_ =	shalt  }
0x68: {  	_ =	shalt  }
0x69: {  	_ =	shalt  }
0x6a: {  	_ =	shalt  }
0x6b: {  	_ =	shalt  }
0x6c: {  	_ =	shalt  }
0x6d: {  	_ =	shalt  }
0x6e: {  	_ =	shalt  }
0x6f: {  	_ =	shalt  }
0x70: {  	_ =	shalt  }
0x71: {  	_ =	shalt  }
0x72: {  	_ =	shalt  }
0x73: {  	_ =	shalt  }
0x74: {  	_ =	shalt  }
0x75: {  	_ =	shalt  }
0x76: {  	_ =	shalt  }
0x77: {  	_ =	shalt  }
0x78: {  	_ =	shalt  }
0x79: {  	_ =	shalt  }
0x7a: {  	_ =	shalt  }
0x7b: {  	_ =	shalt  }
0x7c: {  	_ =	shalt  }
0x7d: {  	_ =	shalt  }
0x7e: {  	_ =	shalt  }
0x7f: {  	_ =	shalt  }
0x80: {  	_ =	shalt  }
0x81: {  	_ =	shalt  }
0x82: {  	_ =	shalt  }
0x83: {  	_ =	shalt  }
0x84: {  	_ =	shalt  }
0x85: {  	_ =	shalt  }
0x86: {  	_ =	shalt  }
0x87: {  	_ =	shalt  }
.Lfunc_end0:
.L_simem_size_0:
called_computation_lowered:
.L_overlay_start_0:
0x88: {  	s2 =	sld [smem:$0x3FD9]  }
0x89: {  	s3 =	sld [smem:$0x3FFE];
	_ =	sdelay $0x1  }
0x8a: {  	s1 =	srdreg.scid  }
0x8b: {  	s0 =	sand.u32 $0x1, s1  }
0x8c: {  	s17 =	sshll.u32 s0, $0xA;
	s2 =	sadd.s32 s3, s2  }
0x8d: {  	s2 =	sadd.s32 s2, s17  }
0x8e: {  	[smem:$0x3FB3] =	sst s2  }
0x8f: {  	_ = 	snop  }
0x90: {  	s2 =	sld [smem:$0x3FD0];
	(tm) =	ssettm $0x1  }
0x91: {  	s18 =	sld [smem:$0x3FFB];
	_ =	sdelay $0x3  }
0x92: {  	_ =	strace s18  }
0x93: {  	s3 =	sld [smem:$0x3FFC];
	_ =	sdelay $0x3  }
0x94: {  	_ =	strace s3  }
0x95: {  	s3 =	sld [smem:$0x3FFD];
	_ =	sdelay $0x3  }
0x96: {  	_ =	strace s3  }
0x97: {  	_ =	strace $0x8FFFFFFF  }
0x98: {  	s19 =	sld [smem:$0x3FDB];
	_ =	sdelay $0x1  }
0x99: {  	s4 =	simm.s32 $_scs_section_size  }
0x9a: {  	s5 =	simm.s32 $_size__tile_overlayer_lowered;
	s6 =	simm.s32 $_tile_overlayer_lowered  }
0x9b: {  	s22 =	simm.s32 $0x1BFF;
	s21 =	sshll.u32 s6, $0x1;
	s3 =	sadd.s32 s4, s19  }
0x9c: {  	s7 =	simm.s32 $0x0;
	s20 =	sshll.u32 s5, $0x1;
	s5 =	sadd.s32 s21, s3  }
0x9d: {  	[timem:s7], [sflag:s22] =	dma.local [hbm:s5], s20  }
0x9e: {  	_ =	swait.ge [sflag:s22], s20  }
0x9f: {  	s4 =	ssub.s32 $0x0, s20;
	[sflag:s22] =	ssyncset.done $0x0  }
0xa0: {  	[sflag:s22] =	ssyncadd.s32 s4;
	_ =	sdelay $0x1  }
0xa1: {  	s23 =	simm.s32 $0x1B8B  }
0xa2: {  	_ =	swait.ge [sflag:s23], $0x1  }
0xa3: {  	[sflag:s23] =	ssyncset.done $0x0  }
0xa4: {  	s25 =	simm.s32 $0x1B8E;
	s24 =	sld [smem:$0x3FFE];
	[sflag:s23] =	ssyncadd.s32 $0xFFFFFFFF  }
0xa5: {  	s26 =	simm.s32 $execute0_lowered;
	[smem:$0x3FD2] =	sst s25  }
0xa6: {  	s5 =	sshll.u32 s26, $0x1;
	_ =	strace $0x80000046;
	[dreg:$0x1] =	wrdreg $0xFFFFFFFF  }
0xa7: {  	s28 =	simm.s32 $_size_execute0_lowered;
	s3 =	sadd.s32 s3, s5;
	[dreg:$0x0] =	wrdreg $0x0  }
0xa8: {  	s5 =	sshll.u32 s28, $0x1;
	[dreg:$0x2] =	wrdreg s3  }
0xa9: {  	[dreg:$0x3] =	wrdreg s5  }
0xaa: {  	[dreg:$0x4] =	wrdreg $0xC0  }
0xab: {  	_ =	task [dreg:s7], $0x5FFFF  }
0xac: {  	[dreg:$0x1] =	wrdreg $0xFFFFFFFF  }
0xad: {  	[dreg:$0x0] =	wrdreg $0x60  }
0xae: {  	[dreg:$0x2] =	wrdreg s2  }
0xaf: {  	[dreg:$0x3] =	wrdreg s24  }
0xb0: {  	[dreg:$0x4] =	wrdreg $0x9  }
0xb1: {  	_ =	task.clear_ibuf [dreg:s7], $0x5FFFF;
	_ =	strace $0x90000046  }
0xb2: {  	s29 =	simm.s32 $0x9;
	_ =	strace $0x80000048  }
0xb3: {  	_ =	swait.ge [sflag:s29], $0x1  }
0xb4: {  	[sflag:s29] =	ssyncadd.s32 $0xFFFFFFFF  }
0xb5: {  	_ =	strace $0x90000048  }
0xb6: {  	_ =	sfence  }
0xb7: {  	s30 =	sld [smem:$0x0];
	_ =	sdelay $0x2  }
0xb8: {  	s31 =	sshll.u32 s1, $0xD;
	s1 =	sshrl.u32 s1, $0x2  }
0xb9: {  	s3 =	sand.u32 $0x4000, s31;
	s1 =	sadd.s32 s1, s30  }
0xba: {  	s0 =	sor.u32 s3, s0;
	s1 =	sshll.u32 s1, $0x11  }
0xbb: {  	s0 =	sor.u32 s1, s0  }
0xbc: {  	s0 =	sadd.s32 $0x8F2B, s0  }
0xbd: {  	[sflag:s0] =	ssyncadd.remote.s32 $0x1  }
0xbe: {  	_ =	sfence.sel $0xFFFF  }
0xbf: {  	[dreg:$0x0] =	wrdreg $0xFFFFFFFF;
	(pc) =	sbr.abs _section_cstart, $3  }
0xc0: {  	[dreg:$0x1] =	wrdreg $0xFFFFFFFF  }
0xc1: {  	_ =	task.clear_ibuf [dreg:s7], $0x2FFFF;
	_ =	strace $0x9FFFFFFF  }
0xc2: {  	(tm) =	ssettm $0x7FFFFFFF  }
0xc3: {  	_ =	shalt  }
tec
execute0_lowered:
.L_overlay_start_1:
0x0: {  	(tag) =	ssettag $0x1  }
0x1: {  	s1 =	srdreg.scid  }
0x2: {  	s0 =	stileid.u32;
	s1 =	sand.u32 $0x1, s1  }
0x3: {  	s2 =	rddreg [dreg:$0x0];
	s3 =	sshll.u32 s0, $0x9;
	s4 =	sshll.u32 s1, $0x8  }
0x4: {  	s26 =	rddreg [dreg:$0x1];
	s4 =	sor.u32 s4, s3;
	s3 =	simm.s32 $0x0  }
0x5: {  	s6 =	simm.s32 $0x100;
	s5 =	sshrl.u32 s4, $0x1;
	[smem:$0x7FF] =	sst s3  }
0x6: {  	s4 =	sshrl.u32 s4, $0x3;
	s5 =	sadd.s32 s5, s26;
	_ =	strace $0x80000047  }
0x7: {  	s4 =	sadd.s32 s4, s26;
	[dreg:$0x6] =	wrdreg s6;
	s5 =	sadd.s32 $0xD200, s5  }
0x8: {  	s23 =	sadd.s32 $0x3000, s4;
	[dreg:$0x3] =	wrdreg s5  }
0x9: {  	s4 =	sadd.s32 $0x3010, s4;
	[dreg:$0x4] =	wrdreg s23  }
0xa: {  	[dreg:$0x5] =	wrdreg s4  }
0xb: {  	s4 =	simm.s32 $0x9;
	s24 =	rddreg [dreg:$0x3]  }
0xc: {  	[tilespmem:s3], [sflag:$0x9] =	stream.linear.gather [hbm4b:s24+s3], $0x400, $0x38;
	[tilespmem:$0x10500] =	vst v63  }
0xd: {  	_ =	swait.ge [sflag:s4], $0x400  }
0xe: {  	[sflag:s4] =	ssyncset.done $0x0  }
0xf: {  	s5 =	simm.s32 $0x400;
	s25 =	rddreg [dreg:$0x4];
	[sflag:s4] =	ssyncadd.s32 $0xFFFFFC00  }
0x10: {  	[tilespmem:s5], [sflag:$0x9] =	stream.linear.gather [hbm4b:s25+s3], $0x80, $0x38;
	[tilespmem:$0x10500] =	vst v63  }
0x11: {  	_ =	swait.ge [sflag:s4], $0x80  }
0x12: {  	[sflag:s4] =	ssyncset.done $0x0  }
0x13: {  	s6 =	simm.s32 $0x480;
	s7 =	rddreg [dreg:$0x5];
	[sflag:s4] =	ssyncadd.s32 $0xFFFFFF80  }
0x14: {  	[tilespmem:s6], [sflag:$0x9] =	stream.linear.gather [hbm4b:s7+s3], $0x80, $0x38;
	[tilespmem:$0x10500] =	vst v63  }
0x15: {  	_ =	swait.ge [sflag:s4], $0x80  }
0x16: {  	s8 =	simm.s32 $0x80;
	[sflag:s4] =	ssyncset.done $0x0  }
0x17: {  	s9 =	simm.s32 $0x500;
	s7 =	sadd.s32 $0x3400, s26;
	[sflag:s4] =	ssyncadd.s32 $0xFFFFFF80  }
0x18: {  	[tilespmem:s9], [sflag:$0x1] =	stream.indirect.gather [hbm4b:s7+s8], $0x80, s3, s8, $0xb8;
	[tilespmem:$0x10500] =	vst v63  }
0x19: {  	s11 =	simm.s32 $0x4500;
	s10 =	sadd.s32 $0x5400, s26  }
0x1a: {  	[tilespmem:s11], [sflag:$0x2] =	stream.indirect.gather [hbm4b:s10+s8], $0x80, s8, s8, $0xb8;
	[tilespmem:$0x10500] =	vst v63  }
0x1b: {  	s12 =	simm.s32 $0x8500;
	s13 =	simm.s32 $0x1;
	s14 =	rddreg [dreg:$0x6]  }
0x1c: {  	[tilespmem:s12], [sflag:$0x3] =	stream.indirect.gather [hbm4b:s2+s8], $0x80, s14, s8, $0xb8;
	[tilespmem:$0x10500] =	vst v63  }
0x1d: {  	_ =	swait.ge [sflag:s13], $0x4000  }
0x1e: {  	[sflag:s13] =	ssyncset.done $0x0  }
0x1f: {  	s14 =	sadd.s32 $0xE200, s26;
	[sflag:s13] =	ssyncadd.s32 $0xFFFFC000  }
0x20: {  	[hbm4b:s14+s8] =	stream.indirect.scatter [tilespmem:s9], [sflag:$0x5], $0x80, s5, s8, $0xb8;
	[tilespmem:$0x10500] =	vst v63  }
0x21: {  	s15 =	simm.s32 $0x180;
	s16 =	simm.s32 $0xC500;
	s17 =	simm.s32 $0x2  }
0x22: {  	[tilespmem:s16], [sflag:$0x4] =	stream.indirect.gather [hbm4b:s2+s8], $0x80, s15, s8, $0xb8;
	[tilespmem:$0x10500] =	vst v63  }
0x23: {  	_ =	swait.ge [sflag:s17], $0x4000  }
0x24: {  	[sflag:s17] =	ssyncset.done $0x0  }
0x25: {  	s19 =	simm.s32 $0x5;
	s18 =	sadd.s32 $0x2E200, s26;
	[sflag:s17] =	ssyncadd.s32 $0xFFFFC000  }
0x26: {  	[hbm4b:s18+s8] =	stream.indirect.scatter [tilespmem:s11], [sflag:$0x6], $0x80, s5, s8, $0xb8;
	[tilespmem:$0x10500] =	vst v63  }
0x27: {  	_ =	swait.ge [sflag:s19], $0x4000  }
0x28: {  	[sflag:s19] =	ssyncset.done $0x0  }
0x29: {  	s20 =	simm.s32 $0x200;
	s21 =	simm.s32 $0x3;
	[sflag:s19] =	ssyncadd.s32 $0xFFFFC000  }
0x2a: {  	[tilespmem:s9], [sflag:$0x1] =	stream.indirect.gather [hbm4b:s7+s8], $0x80, s20, s8, $0xb8;
	[tilespmem:$0x10500] =	vst v63  }
0x2b: {  	_ =	swait.ge [sflag:s21], $0x4000  }
0x2c: {  	[sflag:s21] =	ssyncset.done $0x0  }
0x2d: {  	s22 =	sadd.s32 $0x4E200, s26;
	s23 =	simm.s32 $0x6;
	[sflag:s21] =	ssyncadd.s32 $0xFFFFC000  }
0x2e: {  	[hbm4b:s22+s8] =	stream.indirect.scatter [tilespmem:s12], [sflag:$0x7], $0x80, s5, s8, $0xb8;
	[tilespmem:$0x10500] =	vst v63  }
0x2f: {  	_ =	swait.ge [sflag:s23], $0x4000  }
0x30: {  	[sflag:s23] =	ssyncset.done $0x0  }
0x31: {  	s24 =	simm.s32 $0x280;
	s25 =	simm.s32 $0x4;
	[sflag:s23] =	ssyncadd.s32 $0xFFFFC000  }
0x32: {  	[tilespmem:s11], [sflag:$0x2] =	stream.indirect.gather [hbm4b:s10+s8], $0x80, s24, s8, $0xb8;
	[tilespmem:$0x10500] =	vst v63  }
0x33: {  	_ =	swait.ge [sflag:s25], $0x4000  }
0x34: {  	[sflag:s25] =	ssyncset.done $0x0  }
0x35: {  	s28 =	simm.s32 $0x7;
	s26 =	sadd.s32 $0x6E200, s26;
	[sflag:s25] =	ssyncadd.s32 $0xFFFFC000  }
0x36: {  	[hbm4b:s26+s8] =	stream.indirect.scatter [tilespmem:s16], [sflag:$0x8], $0x80, s5, s8, $0xb8;
	[tilespmem:$0x10500] =	vst v63  }
0x37: {  	_ =	swait.ge [sflag:s28], $0x4000  }
0x38: {  	[sflag:s28] =	ssyncset.done $0x0  }
0x39: {  	s29 =	simm.s32 $0x300;
	[sflag:s28] =	ssyncadd.s32 $0xFFFFC000  }
0x3a: {  	[tilespmem:s12], [sflag:$0x3] =	stream.indirect.gather [hbm4b:s2+s8], $0x80, s29, s8, $0xb8;
	[tilespmem:$0x10500] =	vst v63  }
0x3b: {  	_ =	swait.ge [sflag:s13], $0x4000  }
0x3c: {  	[sflag:s13] =	ssyncset.done $0x0  }
0x3d: {  	s30 =	simm.s32 $0x8;
	[sflag:s13] =	ssyncadd.s32 $0xFFFFC000  }
0x3e: {  	[hbm4b:s14+s8] =	stream.indirect.scatter [tilespmem:s9], [sflag:$0x5], $0x80, s6, s8, $0xb8;
	[tilespmem:$0x10500] =	vst v63  }
0x3f: {  	_ =	swait.ge [sflag:s30], $0x4000  }
0x40: {  	[sflag:s30] =	ssyncset.done $0x0  }
0x41: {  	s31 =	simm.s32 $0x380;
	[sflag:s30] =	ssyncadd.s32 $0xFFFFC000  }
0x42: {  	[tilespmem:s16], [sflag:$0x4] =	stream.indirect.gather [hbm4b:s2+s8], $0x80, s31, s8, $0xb8;
	[tilespmem:$0x10500] =	vst v63  }
0x43: {  	_ =	swait.ge [sflag:s17], $0x4000  }
0x44: {  	[sflag:s17] =	ssyncset.done $0x0  }
0x45: {  	[sflag:s17] =	ssyncadd.s32 $0xFFFFC000  }
0x46: {  	[hbm4b:s18+s8] =	stream.indirect.scatter [tilespmem:s11], [sflag:$0x6], $0x80, s6, s8, $0xb8;
	[tilespmem:$0x10500] =	vst v63  }
0x47: {  	_ =	swait.ge [sflag:s21], $0x4000  }
0x48: {  	[sflag:s21] =	ssyncset.done $0x0  }
0x49: {  	[sflag:s21] =	ssyncadd.s32 $0xFFFFC000  }
0x4a: {  	[hbm4b:s22+s8] =	stream.indirect.scatter [tilespmem:s12], [sflag:$0x7], $0x80, s6, s8, $0xb8;
	[tilespmem:$0x10500] =	vst v63  }
0x4b: {  	_ =	swait.ge [sflag:s25], $0x4000  }
0x4c: {  	[sflag:s25] =	ssyncset.done $0x0  }
0x4d: {  	[sflag:s25] =	ssyncadd.s32 $0xFFFFC000  }
0x4e: {  	[hbm4b:s26+s8] =	stream.indirect.scatter [tilespmem:s16], [sflag:$0x8], $0x80, s6, s8, $0xb8;
	[tilespmem:$0x10500] =	vst v63  }
0x4f: {  	s1 =	ssub.s32 $0x2, s1;
	_ =	swait.ge [sflag:s19], $0x4000  }
0x50: {  	s0 =	sshrl.u32 s1, $0x1;
	[sflag:s19] =	ssyncset.done $0x0  }
0x51: {  	s0 =	ssub.s32 s1, s0;
	[sflag:s19] =	ssyncadd.s32 $0xFFFFC000  }
0x52: {  	s0 =	smax.u32 s0, $0x1;
	_ =	swait.ge [sflag:s23], $0x4000  }
0x53: {  	p0 =	sne.s32 s0, $0x1;
	[sflag:s23] =	ssyncset.done $0x0  }
.Ltmp0:
0x54: {  	[sflag:s23] =	ssyncadd.s32 $0xFFFFC000;
	(pc) =	sbr.rel @!p0 .LBB2_2-.Ltmp0, $4  }
0x55: {  	_ =	swait.ge [sflag:s28], $0x4000  }
0x56: {  	[sflag:s28] =	ssyncset.done $0x0  }
0x57: {  	[sflag:s28] =	ssyncadd.s32 $0xFFFFC000  }
0x58: {  	s1 =	sadd.s32 $0xFFFFFFFF, s0;
	_ =	swait.ge [sflag:s30], $0x4000  }
.LBB2_1:
0x59: {  	[sflag:s30] =	ssyncset.done $0x0  }
0x5a: {  	s0 =	rddreg [dreg:$0x3];
	[sflag:s30] =	ssyncadd.s32 $0xFFFFC000  }
0x5b: {  	[tilespmem:s3], [sflag:$0x9] =	stream.linear.gather [hbm4b:s0+s3], $0x400, $0x38;
	[tilespmem:$0x10500] =	vst v63  }
0x5c: {  	_ =	swait.ge [sflag:s4], $0x400  }
0x5d: {  	[sflag:s4] =	ssyncset.done $0x0  }
0x5e: {  	s0 =	rddreg [dreg:$0x4];
	[sflag:s4] =	ssyncadd.s32 $0xFFFFFC00  }
0x5f: {  	[tilespmem:s5], [sflag:$0x9] =	stream.linear.gather [hbm4b:s0+s3], $0x80, $0x38;
	[tilespmem:$0x10500] =	vst v63  }
0x60: {  	_ =	swait.ge [sflag:s4], $0x80  }
0x61: {  	[sflag:s4] =	ssyncset.done $0x0  }
0x62: {  	s0 =	rddreg [dreg:$0x5];
	[sflag:s4] =	ssyncadd.s32 $0xFFFFFF80  }
0x63: {  	[tilespmem:s6], [sflag:$0x9] =	stream.linear.gather [hbm4b:s0+s3], $0x80, $0x38;
	[tilespmem:$0x10500] =	vst v63  }
0x64: {  	_ =	swait.ge [sflag:s4], $0x80  }
0x65: {  	[sflag:s4] =	ssyncset.done $0x0  }
0x66: {  	[sflag:s4] =	ssyncadd.s32 $0xFFFFFF80  }
0x67: {  	[tilespmem:s9], [sflag:$0x1] =	stream.indirect.gather [hbm4b:s7+s8], $0x80, s3, s8, $0xb8;
	[tilespmem:$0x10500] =	vst v63  }
0x68: {  	_ = 	snop  }
0x69: {  	[tilespmem:s11], [sflag:$0x2] =	stream.indirect.gather [hbm4b:s10+s8], $0x80, s8, s8, $0xb8;
	[tilespmem:$0x10500] =	vst v63  }
0x6a: {  	s0 =	rddreg [dreg:$0x6]  }
0x6b: {  	[tilespmem:s12], [sflag:$0x3] =	stream.indirect.gather [hbm4b:s2+s8], $0x80, s0, s8, $0xb8;
	[tilespmem:$0x10500] =	vst v63  }
0x6c: {  	_ =	swait.ge [sflag:s13], $0x4000  }
0x6d: {  	[sflag:s13] =	ssyncset.done $0x0  }
0x6e: {  	[sflag:s13] =	ssyncadd.s32 $0xFFFFC000  }
0x6f: {  	[hbm4b:s14+s8] =	stream.indirect.scatter [tilespmem:s9], [sflag:$0x5], $0x80, s5, s8, $0xb8;
	[tilespmem:$0x10500] =	vst v63  }
0x70: {  	_ = 	snop  }
0x71: {  	[tilespmem:s16], [sflag:$0x4] =	stream.indirect.gather [hbm4b:s2+s8], $0x80, s15, s8, $0xb8;
	[tilespmem:$0x10500] =	vst v63  }
0x72: {  	_ =	swait.ge [sflag:s17], $0x4000  }
0x73: {  	[sflag:s17] =	ssyncset.done $0x0  }
0x74: {  	[sflag:s17] =	ssyncadd.s32 $0xFFFFC000  }
0x75: {  	[hbm4b:s18+s8] =	stream.indirect.scatter [tilespmem:s11], [sflag:$0x6], $0x80, s5, s8, $0xb8;
	[tilespmem:$0x10500] =	vst v63  }
0x76: {  	_ =	swait.ge [sflag:s19], $0x4000  }
0x77: {  	[sflag:s19] =	ssyncset.done $0x0  }
0x78: {  	[sflag:s19] =	ssyncadd.s32 $0xFFFFC000  }
0x79: {  	[tilespmem:s9], [sflag:$0x1] =	stream.indirect.gather [hbm4b:s7+s8], $0x80, s20, s8, $0xb8;
	[tilespmem:$0x10500] =	vst v63  }
0x7a: {  	_ =	swait.ge [sflag:s21], $0x4000  }
0x7b: {  	[sflag:s21] =	ssyncset.done $0x0  }
0x7c: {  	[sflag:s21] =	ssyncadd.s32 $0xFFFFC000  }
0x7d: {  	[hbm4b:s22+s8] =	stream.indirect.scatter [tilespmem:s12], [sflag:$0x7], $0x80, s5, s8, $0xb8;
	[tilespmem:$0x10500] =	vst v63  }
0x7e: {  	_ =	swait.ge [sflag:s23], $0x4000  }
0x7f: {  	[sflag:s23] =	ssyncset.done $0x0  }
0x80: {  	[sflag:s23] =	ssyncadd.s32 $0xFFFFC000  }
0x81: {  	[tilespmem:s11], [sflag:$0x2] =	stream.indirect.gather [hbm4b:s10+s8], $0x80, s24, s8, $0xb8;
	[tilespmem:$0x10500] =	vst v63  }
0x82: {  	_ =	swait.ge [sflag:s25], $0x4000  }
0x83: {  	[sflag:s25] =	ssyncset.done $0x0  }
0x84: {  	[sflag:s25] =	ssyncadd.s32 $0xFFFFC000  }
0x85: {  	[hbm4b:s26+s8] =	stream.indirect.scatter [tilespmem:s16], [sflag:$0x8], $0x80, s5, s8, $0xb8;
	[tilespmem:$0x10500] =	vst v63  }
0x86: {  	_ =	swait.ge [sflag:s28], $0x4000  }
0x87: {  	[sflag:s28] =	ssyncset.done $0x0  }
0x88: {  	[sflag:s28] =	ssyncadd.s32 $0xFFFFC000  }
0x89: {  	[tilespmem:s12], [sflag:$0x3] =	stream.indirect.gather [hbm4b:s2+s8], $0x80, s29, s8, $0xb8;
	[tilespmem:$0x10500] =	vst v63  }
0x8a: {  	_ =	swait.ge [sflag:s13], $0x4000  }
0x8b: {  	[sflag:s13] =	ssyncset.done $0x0  }
0x8c: {  	[sflag:s13] =	ssyncadd.s32 $0xFFFFC000  }
0x8d: {  	[hbm4b:s14+s8] =	stream.indirect.scatter [tilespmem:s9], [sflag:$0x5], $0x80, s6, s8, $0xb8;
	[tilespmem:$0x10500] =	vst v63  }
0x8e: {  	_ =	swait.ge [sflag:s30], $0x4000  }
0x8f: {  	[sflag:s30] =	ssyncset.done $0x0  }
0x90: {  	[sflag:s30] =	ssyncadd.s32 $0xFFFFC000  }
0x91: {  	[tilespmem:s16], [sflag:$0x4] =	stream.indirect.gather [hbm4b:s2+s8], $0x80, s31, s8, $0xb8;
	[tilespmem:$0x10500] =	vst v63  }
0x92: {  	_ =	swait.ge [sflag:s17], $0x4000  }
0x93: {  	[sflag:s17] =	ssyncset.done $0x0  }
0x94: {  	[sflag:s17] =	ssyncadd.s32 $0xFFFFC000  }
0x95: {  	[hbm4b:s18+s8] =	stream.indirect.scatter [tilespmem:s11], [sflag:$0x6], $0x80, s6, s8, $0xb8;
	[tilespmem:$0x10500] =	vst v63  }
0x96: {  	_ =	swait.ge [sflag:s21], $0x4000  }
0x97: {  	[sflag:s21] =	ssyncset.done $0x0  }
0x98: {  	[sflag:s21] =	ssyncadd.s32 $0xFFFFC000  }
0x99: {  	[hbm4b:s22+s8] =	stream.indirect.scatter [tilespmem:s12], [sflag:$0x7], $0x80, s6, s8, $0xb8;
	[tilespmem:$0x10500] =	vst v63  }
0x9a: {  	_ =	swait.ge [sflag:s25], $0x4000  }
0x9b: {  	[sflag:s25] =	ssyncset.done $0x0  }
0x9c: {  	[sflag:s25] =	ssyncadd.s32 $0xFFFFC000  }
0x9d: {  	[hbm4b:s26+s8] =	stream.indirect.scatter [tilespmem:s16], [sflag:$0x8], $0x80, s6, s8, $0xb8;
	[tilespmem:$0x10500] =	vst v63  }
0x9e: {  	_ =	swait.ge [sflag:s19], $0x4000  }
0x9f: {  	[sflag:s19] =	ssyncset.done $0x0  }
0xa0: {  	[sflag:s19] =	ssyncadd.s32 $0xFFFFC000  }
0xa1: {  	_ =	swait.ge [sflag:s23], $0x4000  }
0xa2: {  	p0 =	sne.s32 s1, $0x1;
	[sflag:s23] =	ssyncset.done $0x0  }
.Ltmp1:
0xa3: {  	[sflag:s23] =	ssyncadd.s32 $0xFFFFC000;
	(pc) =	sbr.rel @p0 .LBB2_1-.Ltmp1, $4  }
0xa4: {  	_ =	swait.ge [sflag:s28], $0x4000  }
0xa5: {  	[sflag:s28] =	ssyncset.done $0x0  }
0xa6: {  	[sflag:s28] =	ssyncadd.s32 $0xFFFFC000  }
0xa7: {  	s1 =	sadd.s32 $0xFFFFFFFF, s1;
	_ =	swait.ge [sflag:s30], $0x4000  }
.LBB2_2:
0xa8: {  	[sflag:s30] =	ssyncset.done $0x0  }
0xa9: {  	[sflag:s30] =	ssyncadd.s32 $0xFFFFC000  }
0xaa: {  	_ =	sfence.sel $0x180000  }
0xab: {  	[bflag:$0x0] =	sbarrier.arrive $0xFFFF  }
0xac: {  	_ =	strace $0x90000047  }
0xad: {  	s0 =	stileid.u32;
	[bflag:$0x2] =	sbarrier.arrive $0xFFFF  }
0xae: {  	p0 =	sne.s32 s0, $0x0;
	s0 =	rddreg [dreg:$0x2]  }
0xaf: {  	s0 =	sadd.s32 @!p0 $0x100000, s0  }
0xb0: {  	[sflag:s0] =	ssyncadd.tile.s32 @!p0 $0x1;
	_ =	shalt  }
.Lfunc_end2:
_tile_overlayer_lowered:
.L_overlay_start_2:
0xb1: {  	(tag) =	ssettag $0x2  }
0xb2: {  	s0 =	rddreg [dreg:$0x0];
	s2 =	stileid.u32  }
0xb3: {  	s1 =	rddreg [dreg:$0x1];
	p0 =	sne.s32 s2, $0x0  }
0xb4: {  	s3 =	rddreg [dreg:$0x2];
	[bflag:$0x3] =	sbarrier.arrive $0xFFFF;
	s2 =	simm.s32 @!p0 $0x1C09  }
0xb5: {  	[timem:s3], [sflag:s2] =	dma.local @!p0 [hbm:s0], s1  }
0xb6: {  	s0 =	simm.s32 @!p0 $0x9  }
0xb7: {  	_ =	swait.ge @!p0 [sflag:s0], s1  }
0xb8: {  	s1 =	ssub.s32 @!p0 $0x0, s1;
	[sflag:s0] =	ssyncset.done @!p0 $0x0  }
0xb9: {  	[sflag:s0] =	ssyncadd.s32 @!p0 s1  }
0xba: {  	[bflag:$0x3] =	sbarrier.arrive $0xFFFF  }
0xbb: {  	_ =	shalt  }

// kernel: kernel.8.cloned.1.call-start
scs
__scs_entry_jumppad:
0x0: {  	(pc) =	sbr.rel $0x88, $3  }
0x1: {  	(tag) =	ssettag $0x0;
	lr =	simm.s32 $0x1  }
0x2: {  	[smem:$0x3F8C] =	sst lr;
	_ =	strace $0xD0000000  }
0x3: {  	_ = 	snop  }
0x4: {  	_ = 	snop  }
0x5: {  	_ = 	snop  }
0x6: {  	_ = 	snop  }
0x7: {  	_ = 	snop  }
__scs_overlays_trampoline_lowered:
0x8: {  	[smem:$0x3F9B] =	sst s0  }
0x9: {  	[smem:$0x3F9C] =	sst s1  }
0xa: {  	[smem:$0x3F9D] =	sst s2  }
0xb: {  	[smem:$0x3F9E] =	sst s3  }
0xc: {  	[smem:$0x3F9F] =	sst s4  }
0xd: {  	[smem:$0x3FA0] =	sst s5  }
0xe: {  	[smem:$0x3FA1] =	sst s6  }
0xf: {  	[smem:$0x3FA2] =	sst s7  }
0x10: {  	[smem:$0x3FA3] =	sst s8  }
0x11: {  	[smem:$0x3FA4] =	sst s9;
	s0 =	simm.s32 @!p0 $0x0  }
0x12: {  	s1 =	sld [smem:$0x3F8A];
	s0 =	simm.s32 @p0 $0x1  }
0x13: {  	[smem:$0x3FA5] =	sst s0;
	s0 =	simm.s32 @!p1 $0x0  }
0x14: {  	s2 =	sld [smem:$0x3F89];
	s0 =	simm.s32 @p1 $0x1  }
0x15: {  	[smem:$0x3FA6] =	sst s0;
	s0 =	simm.s32 @!p2 $0x0  }
0x16: {  	s3 =	sld [smem:$0x3FDB];
	s0 =	simm.s32 @p2 $0x1  }
0x17: {  	s4 =	simm.s32 $0x1BF5;
	[smem:$0x3FA8] =	sst s0  }
0x18: {  	s0 =	sld [smem:$0x3F8B];
	_ =	swait.ge [sflag:s4], $0x0  }
0x19: {  	s7 =	sld [smem:$0x3F8C]  }
0x1a: {  	s8 =	sadd.s32 $0xFFFFE003, lr  }
0x1b: {  	s9 =	sadd.s32 $0xFFFFFEF7, lr;
	s5 =	simm.s32 $0xFFFFFFFF;
	p2 =	slt.u32 s8, $0xFFFFF086  }
0x1c: {  	p1 =	slt.u32 s9, $0xF7A;
	s5 =	simm.s32 @!p2 $0x0  }
0x1d: {  	s5 =	simm.s32 @p1 $0x1;
	p0 =	seq.s32 s7, s2  }
0x1e: {  	s7 =	smul.u32 @!p0 $0xF7A, s2;
	p2 =	seq.s32 @!p0 s5, $0x0  }
0x1f: {  	s9 =	smul.u32 $0xF7A, s1;
	s8 =	simm.s32 @!p0 $0x1BF5;
	p2 =	por !p2, p0  }
0x20: {  	[sflag:s8] =	ssyncset.s32 @!p0 $0xFFFFF086;
	s6 =	sadd.s32 @!p0 s3, s7;
	s7 =	simm.s32 @!p0 $0x108  }
0x21: {  	s3 =	sadd.s32 s3, s9;
	s6 =	sadd.s32 @!p0 $0x88, s6;
	s7 =	simm.s32 @p2 $0x1082  }
0x22: {  	[simem:s7], [sflag:s8] =	dma.local @!p0 [hbm:s6], $0xF7A  }
0x23: {  	s9 =	sor.u32 $0xD0000000, s2;
	s6 =	simm.s32 $0x108;
	_ =	swait.ge @!p0 [sflag:s8], $0x0  }
0x24: {  	s3 =	sadd.s32 $0x88, s3;
	s6 =	simm.s32 @!p1 $0x1082;
	[sflag:s4] =	ssyncset.s32 $0xFFFFF086  }
0x25: {  	[simem:s6], [sflag:s4] =	dma.local [hbm:s3], $0xF7A  }
0x26: {  	[smem:$0x3F8C] =	sst s1;
	(tag) =	ssettag s2;
	_ =	strace s9  }
0x27: {  	s1 =	sld [smem:$0x3F9C]  }
0x28: {  	s2 =	sld [smem:$0x3F9D]  }
0x29: {  	s4 =	sld [smem:$0x3F9F]  }
0x2a: {  	p0 =	seq.s32 s5, $0x0;
	s5 =	sld [smem:$0x3FA0]  }
0x2b: {  	s6 =	sld [smem:$0x3FA1]  }
0x2c: {  	s7 =	sld [smem:$0x3FA2]  }
0x2d: {  	s3 =	simm.s32 $0x108;
	s8 =	sld [smem:$0x3FA3]  }
0x2e: {  	s3 =	simm.s32 @!p0 $0x1082;
	s9 =	sld [smem:$0x3FA4]  }
0x2f: {  	lr =	sadd.s32 s0, s3;
	s0 =	sld [smem:$0x3F9B]  }
0x30: {  	s3 =	sld [smem:$0x3F9E]  }
0x31: {  	[smem:$0x3FA7] =	sst s10  }
0x32: {  	s10 =	sld [smem:$0x3FA5];
	_ =	sdelay $0x3  }
0x33: {  	p0 =	seq.s32 s10, $0x1;
	s10 =	sld [smem:$0x3FA7];
	_ =	sdelay $0x3  }
0x34: {  	[smem:$0x3FA7] =	sst s10  }
0x35: {  	s10 =	sld [smem:$0x3FA6];
	_ =	sdelay $0x3  }
0x36: {  	p1 =	seq.s32 s10, $0x1;
	s10 =	sld [smem:$0x3FA7];
	_ =	sdelay $0x3  }
0x37: {  	[smem:$0x3FA7] =	sst s10  }
0x38: {  	s10 =	sld [smem:$0x3FA8]  }
0x39: {  	_ = 	snop;
	(pc) =	sbr.ind lr, $3  }
0x3a: {  	_ = 	snop  }
0x3b: {  	_ = 	snop  }
0x3c: {  	p2 =	seq.s32 s10, $0x1;
	s10 =	sld [smem:$0x3FA7]  }
0x3d: {  	_ =	shalt  }
0x3e: {  	_ =	shalt  }
0x3f: {  	_ =	shalt  }
0x40: {  	_ =	shalt  }
0x41: {  	_ =	shalt  }
0x42: {  	_ =	shalt  }
0x43: {  	_ =	shalt  }
0x44: {  	_ =	shalt  }
0x45: {  	_ =	shalt  }
0x46: {  	_ =	shalt  }
0x47: {  	_ =	shalt  }
0x48: {  	_ =	shalt  }
0x49: {  	_ =	shalt  }
0x4a: {  	_ =	shalt  }
0x4b: {  	_ =	shalt  }
0x4c: {  	_ =	shalt  }
0x4d: {  	_ =	shalt  }
0x4e: {  	_ =	shalt  }
0x4f: {  	_ =	shalt  }
0x50: {  	_ =	shalt  }
0x51: {  	_ =	shalt  }
0x52: {  	_ =	shalt  }
0x53: {  	_ =	shalt  }
0x54: {  	_ =	shalt  }
0x55: {  	_ =	shalt  }
0x56: {  	_ =	shalt  }
0x57: {  	_ =	shalt  }
0x58: {  	_ =	shalt  }
0x59: {  	_ =	shalt  }
0x5a: {  	_ =	shalt  }
0x5b: {  	_ =	shalt  }
0x5c: {  	_ =	shalt  }
0x5d: {  	_ =	shalt  }
0x5e: {  	_ =	shalt  }
0x5f: {  	_ =	shalt  }
0x60: {  	_ =	shalt  }
0x61: {  	_ =	shalt  }
0x62: {  	_ =	shalt  }
0x63: {  	_ =	shalt  }
0x64: {  	_ =	shalt  }
0x65: {  	_ =	shalt  }
0x66: {  	_ =	shalt  }
0x67: {  	_ =	shalt  }
0x68: {  	_ =	shalt  }
0x69: {  	_ =	shalt  }
0x6a: {  	_ =	shalt  }
0x6b: {  	_ =	shalt  }
0x6c: {  	_ =	shalt  }
0x6d: {  	_ =	shalt  }
0x6e: {  	_ =	shalt  }
0x6f: {  	_ =	shalt  }
0x70: {  	_ =	shalt  }
0x71: {  	_ =	shalt  }
0x72: {  	_ =	shalt  }
0x73: {  	_ =	shalt  }
0x74: {  	_ =	shalt  }
0x75: {  	_ =	shalt  }
0x76: {  	_ =	shalt  }
0x77: {  	_ =	shalt  }
0x78: {  	_ =	shalt  }
0x79: {  	_ =	shalt  }
0x7a: {  	_ =	shalt  }
0x7b: {  	_ =	shalt  }
0x7c: {  	_ =	shalt  }
0x7d: {  	_ =	shalt  }
0x7e: {  	_ =	shalt  }
0x7f: {  	_ =	shalt  }
0x80: {  	_ =	shalt  }
0x81: {  	_ =	shalt  }
0x82: {  	_ =	shalt  }
0x83: {  	_ =	shalt  }
0x84: {  	_ =	shalt  }
0x85: {  	_ =	shalt  }
0x86: {  	_ =	shalt  }
0x87: {  	_ =	shalt  }
.Lfunc_end0:
.L_simem_size_0:
called_computation.1_lowered:
.L_overlay_start_0:
0x88: {  	s2 =	sld [smem:$0x3FD9]  }
0x89: {  	s3 =	sld [smem:$0x3FFE];
	_ =	sdelay $0x1  }
0x8a: {  	s1 =	srdreg.scid  }
0x8b: {  	s0 =	sand.u32 $0x1, s1  }
0x8c: {  	s17 =	sshll.u32 s0, $0xA;
	s2 =	sadd.s32 s3, s2  }
0x8d: {  	s2 =	sadd.s32 s2, s17  }
0x8e: {  	[smem:$0x3FB3] =	sst s2  }
0x8f: {  	_ = 	snop  }
0x90: {  	s2 =	sld [smem:$0x3FD0];
	(tm) =	ssettm $0x1  }
0x91: {  	s18 =	sld [smem:$0x3FFB];
	_ =	sdelay $0x3  }
0x92: {  	_ =	strace s18  }
0x93: {  	s3 =	sld [smem:$0x3FFC];
	_ =	sdelay $0x3  }
0x94: {  	_ =	strace s3  }
0x95: {  	s3 =	sld [smem:$0x3FFD];
	_ =	sdelay $0x3  }
0x96: {  	_ =	strace s3  }
0x97: {  	_ =	strace $0x8FFFFFFF  }
0x98: {  	s19 =	sld [smem:$0x3FDB];
	_ =	sdelay $0x1  }
0x99: {  	s4 =	simm.s32 $_scs_section_size  }
0x9a: {  	s5 =	simm.s32 $_size__tile_overlayer_lowered;
	s6 =	simm.s32 $_tile_overlayer_lowered  }
0x9b: {  	s22 =	simm.s32 $0x1BFF;
	s21 =	sshll.u32 s6, $0x1;
	s3 =	sadd.s32 s4, s19  }
0x9c: {  	s7 =	simm.s32 $0x0;
	s20 =	sshll.u32 s5, $0x1;
	s5 =	sadd.s32 s21, s3  }
0x9d: {  	[timem:s7], [sflag:s22] =	dma.local [hbm:s5], s20  }
0x9e: {  	_ =	swait.ge [sflag:s22], s20  }
0x9f: {  	s4 =	ssub.s32 $0x0, s20;
	[sflag:s22] =	ssyncset.done $0x0  }
0xa0: {  	[sflag:s22] =	ssyncadd.s32 s4;
	_ =	sdelay $0x1  }
0xa1: {  	s23 =	simm.s32 $0x1B8B  }
0xa2: {  	_ =	swait.ge [sflag:s23], $0x1  }
0xa3: {  	[sflag:s23] =	ssyncset.done $0x0  }
0xa4: {  	s25 =	simm.s32 $0x1B8E;
	s24 =	sld [smem:$0x3FFE];
	[sflag:s23] =	ssyncadd.s32 $0xFFFFFFFF  }
0xa5: {  	s26 =	simm.s32 $execute0_lowered;
	[smem:$0x3FD2] =	sst s25  }
0xa6: {  	s5 =	sshll.u32 s26, $0x1;
	_ =	strace $0x80000049;
	[dreg:$0x1] =	wrdreg $0xFFFFFFFF  }
0xa7: {  	s28 =	simm.s32 $_size_execute0_lowered;
	s3 =	sadd.s32 s3, s5;
	[dreg:$0x0] =	wrdreg $0x0  }
0xa8: {  	s5 =	sshll.u32 s28, $0x1;
	[dreg:$0x2] =	wrdreg s3  }
0xa9: {  	[dreg:$0x3] =	wrdreg s5  }
0xaa: {  	[dreg:$0x4] =	wrdreg $0xC0  }
0xab: {  	_ =	task [dreg:s7], $0x5FFFF  }
0xac: {  	[dreg:$0x1] =	wrdreg $0xFFFFFFFF  }
0xad: {  	[dreg:$0x0] =	wrdreg $0x60  }
0xae: {  	[dreg:$0x2] =	wrdreg s24  }
0xaf: {  	[dreg:$0x3] =	wrdreg s2  }
0xb0: {  	[dreg:$0x4] =	wrdreg $0x9  }
0xb1: {  	_ =	task.clear_ibuf [dreg:s7], $0x5FFFF;
	_ =	strace $0x90000049  }
0xb2: {  	s29 =	simm.s32 $0x9;
	_ =	strace $0x8000004B  }
0xb3: {  	_ =	swait.ge [sflag:s29], $0x1  }
0xb4: {  	[sflag:s29] =	ssyncadd.s32 $0xFFFFFFFF  }
0xb5: {  	_ =	strace $0x9000004B  }
0xb6: {  	_ =	sfence  }
0xb7: {  	s30 =	sld [smem:$0x0];
	_ =	sdelay $0x2  }
0xb8: {  	s31 =	sshll.u32 s1, $0xD;
	s1 =	sshrl.u32 s1, $0x2  }
0xb9: {  	s3 =	sand.u32 $0x4000, s31;
	s1 =	sadd.s32 s1, s30  }
0xba: {  	s0 =	sor.u32 s3, s0;
	s1 =	sshll.u32 s1, $0x11  }
0xbb: {  	s0 =	sor.u32 s1, s0  }
0xbc: {  	s0 =	sadd.s32 $0x8F2B, s0  }
0xbd: {  	[sflag:s0] =	ssyncadd.remote.s32 $0x1  }
0xbe: {  	_ =	sfence.sel $0xFFFF  }
0xbf: {  	[dreg:$0x0] =	wrdreg $0xFFFFFFFF;
	(pc) =	sbr.abs _section_cstart, $3  }
0xc0: {  	[dreg:$0x1] =	wrdreg $0xFFFFFFFF  }
0xc1: {  	_ =	task.clear_ibuf [dreg:s7], $0x2FFFF;
	_ =	strace $0x9FFFFFFF  }
0xc2: {  	(tm) =	ssettm $0x7FFFFFFF  }
0xc3: {  	_ =	shalt  }
tec
execute0_lowered:
.L_overlay_start_1:
0x0: {  	(tag) =	ssettag $0x1  }
0x1: {  	s1 =	srdreg.scid;
	s4 =	rddreg [dreg:$0x0]  }
0x2: {  	s0 =	stileid.u32;
	s5 =	rddreg [dreg:$0x1];
	s15 =	simm.s32 $0x900  }
0x3: {  	s16 =	simm.s32 $0x1100;
	s17 =	simm.s32 $0x1900;
	s18 =	simm.s32 $0x2100  }
0x4: {  	s19 =	simm.s32 $0x2900;
	s20 =	simm.s32 $0x3100;
	s1 =	sand.u32 $0x1, s1  }
0x5: {  	s21 =	simm.s32 $0x3900;
	s2 =	sshll.u32 s0, $0x9;
	s3 =	sshll.u32 s1, $0x8  }
0x6: {  	s22 =	simm.s32 $0x4100;
	s3 =	sor.u32 s3, s2;
	s2 =	simm.s32 $0x0  }
0x7: {  	s24 =	simm.s32 $0x4900;
	s25 =	simm.s32 $0x5100;
	[smem:$0x7FF] =	sst s2  }
0x8: {  	s26 =	simm.s32 $0x5900;
	_ =	strace $0x8000004A;
	[dreg:$0x5] =	wrdreg s15  }
0x9: {  	s7 =	simm.s32 $0x100;
	s9 =	simm.s32 $0x6900;
	[dreg:$0x6] =	wrdreg s16  }
0xa: {  	s10 =	simm.s32 $0x7100;
	s11 =	simm.s32 $0x7900;
	[dreg:$0x7] =	wrdreg s17  }
0xb: {  	s12 =	simm.s32 $0x8100;
	s13 =	simm.s32 $0x8900;
	[dreg:$0x8] =	wrdreg s18  }
0xc: {  	s14 =	simm.s32 $0x9100;
	s28 =	simm.s32 $0xF900;
	[dreg:$0x9] =	wrdreg s19  }
0xd: {  	s29 =	simm.s32 $0x1;
	s30 =	simm.s32 $0x2;
	[dreg:$0xa] =	wrdreg s20  }
0xe: {  	s31 =	simm.s32 $0x3;
	s1 =	ssub.s32 $0x2, s1;
	[dreg:$0xb] =	wrdreg s21  }
0xf: {  	s23 =	sshrl.u32 s1, $0x1;
	s6 =	sshrl.u32 s3, $0x3;
	[dreg:$0xc] =	wrdreg s22  }
0x10: {  	s3 =	sshll.u32 s3, $0x5;
	s1 =	ssub.s32 s1, s23;
	[dreg:$0xd] =	wrdreg s24  }
0x11: {  	s23 =	simm.s32 $0xD900;
	s6 =	sadd.s32 s6, s4;
	[dreg:$0xe] =	wrdreg s25  }
0x12: {  	s3 =	sadd.s32 s5, s3;
	s4 =	sadd.s32 $0x3400, s4;
	[dreg:$0xf] =	wrdreg s26  }
0x13: {  	s15 =	simm.s32 $0x9900;
	s16 =	simm.s32 $0xA100;
	s17 =	simm.s32 $0xA900  }
0x14: {  	s18 =	simm.s32 $0xB100;
	s19 =	simm.s32 $0xB900;
	s20 =	simm.s32 $0xC100  }
0x15: {  	s21 =	simm.s32 $0xC900;
	s22 =	simm.s32 $0xD100;
	s6 =	sadd.s32 $0x3000, s6  }
0x16: {  	v2 =	vlaneseq.u32;
	s24 =	simm.s32 $0xE100;
	s5 =	sadd.s32 $0x1000, s3;
	[dreg:$0x3] =	wrdreg s6  }
0x17: {  	vm0 =	vmmov $0xffff;
	v1 =	vshrl.u32 v2, $0x3;
	s25 =	simm.s32 $0xE900;
	s26 =	simm.s32 $0xF100;
	[dreg:$0x4] =	wrdreg s5  }
0x18: {  	v0 =	vand.u32 $0x7, v2;
	v2 =	vor.u32 $0x8, v2;
	v1 =	vmul.u32 $0x8, v1;
	s5 =	smax.u32 s1, $0x1;
	s6 =	simm.s32 $0x5;
	s1 =	simm.s32 $0x4  }
.LBB2_1:
0x19: {  	s0 =	rddreg [dreg:$0x3]  }
0x1a: {  	[tilespmem:s2], [sflag:$0x5] =	stream.linear.gather [hbm4b:s0+s2], $0x100, $0x38;
	[tilespmem:$0x10100] =	vst v63  }
0x1b: {  	_ =	swait.ge [sflag:s6], $0x100  }
0x1c: {  	[sflag:s6] =	ssyncset.done $0x0  }
0x1d: {  	[sflag:s6] =	ssyncadd.s32 $0xFFFFFF00  }
0x1e: {  	v3 =	vld [tilespmem:$0x0];
	_ =	sdelay $0x4  }
0x1f: {  	v4 =	vshll.u32 v3, $0x1  }
0x20: {  	v3 =	vand.u32 $0x7, v3;
	v4 =	vand.u32 $0xFFFFFFF0, v4  }
0x21: {  	v3 =	vor.u32 v3, v4  }
0x22: {  	v4 =	vperm.xlane v3, v0;
	_ =	sdelay $0x1  }
0x23: {  	v3 =	vperm.xlane v3, v2;
	v4 =	vadd.s32 v1, v4;
	_ =	sdelay $0x1  }
0x24: {  	v3 =	vadd.s32 v1, v3;
	_ =	sdelay $0x2  }
0x25: {  	[tilespmem:s7], [sflag:$0x1] =	stream.indirect_vreg.gather [hbm4b:s4+s2], $0x80, v4, vm0, $0xb8;
	[tilespmem:$0x10100] =	vst v63  }
0x26: {  	s8 =	rddreg [dreg:$0x5]  }
0x27: {  	[tilespmem:s8], [sflag:$0x1] =	stream.indirect_vreg.gather [hbm4b:s4+s2], $0x80, v3, vm0, $0xb8;
	[tilespmem:$0x10100] =	vst v63  }
0x28: {  	v3 =	vld [tilespmem:$0x10];
	_ =	sdelay $0x4  }
0x29: {  	v49 =	vshll.u32 v3, $0x1  }
0x2a: {  	v3 =	vand.u32 $0x7, v3;
	v4 =	vand.u32 $0xFFFFFFF0, v49  }
0x2b: {  	v3 =	vor.u32 v3, v4  }
0x2c: {  	v4 =	vperm.xlane v3, v0;
	_ =	sdelay $0x1  }
0x2d: {  	v3 =	vperm.xlane v3, v2;
	v4 =	vadd.s32 v1, v4;
	_ =	sdelay $0x1  }
0x2e: {  	v3 =	vadd.s32 v1, v3;
	_ =	sdelay $0x1  }
0x2f: {  	s0 =	rddreg [dreg:$0x6]  }
0x30: {  	[tilespmem:s0], [sflag:$0x1] =	stream.indirect_vreg.gather [hbm4b:s4+s2], $0x80, v4, vm0, $0xb8;
	[tilespmem:$0x10100] =	vst v63  }
0x31: {  	s8 =	rddreg [dreg:$0x7]  }
0x32: {  	[tilespmem:s8], [sflag:$0x1] =	stream.indirect_vreg.gather [hbm4b:s4+s2], $0x80, v3, vm0, $0xb8;
	[tilespmem:$0x10100] =	vst v63  }
0x33: {  	v3 =	vld [tilespmem:$0x20];
	_ =	sdelay $0x4  }
0x34: {  	v50 =	vshll.u32 v3, $0x1  }
0x35: {  	v3 =	vand.u32 $0x7, v3;
	v4 =	vand.u32 $0xFFFFFFF0, v50  }
0x36: {  	v3 =	vor.u32 v3, v4  }
0x37: {  	v4 =	vperm.xlane v3, v0;
	_ =	sdelay $0x1  }
0x38: {  	v3 =	vperm.xlane v3, v2;
	v4 =	vadd.s32 v1, v4;
	_ =	sdelay $0x1  }
0x39: {  	v3 =	vadd.s32 v1, v3;
	_ =	sdelay $0x1  }
0x3a: {  	s0 =	rddreg [dreg:$0x8]  }
0x3b: {  	[tilespmem:s0], [sflag:$0x1] =	stream.indirect_vreg.gather [hbm4b:s4+s2], $0x80, v4, vm0, $0xb8;
	[tilespmem:$0x10100] =	vst v63  }
0x3c: {  	s8 =	rddreg [dreg:$0x9]  }
0x3d: {  	[tilespmem:s8], [sflag:$0x1] =	stream.indirect_vreg.gather [hbm4b:s4+s2], $0x80, v3, vm0, $0xb8;
	[tilespmem:$0x10100] =	vst v63  }
0x3e: {  	v3 =	vld [tilespmem:$0x30];
	_ =	sdelay $0x4  }
0x3f: {  	v51 =	vshll.u32 v3, $0x1  }
0x40: {  	v3 =	vand.u32 $0x7, v3;
	v4 =	vand.u32 $0xFFFFFFF0, v51  }
0x41: {  	v3 =	vor.u32 v3, v4  }
0x42: {  	v4 =	vperm.xlane v3, v0;
	_ =	sdelay $0x1  }
0x43: {  	v3 =	vperm.xlane v3, v2;
	v4 =	vadd.s32 v1, v4;
	_ =	sdelay $0x1  }
0x44: {  	v3 =	vadd.s32 v1, v3;
	_ =	sdelay $0x1  }
0x45: {  	s0 =	rddreg [dreg:$0xa]  }
0x46: {  	[tilespmem:s0], [sflag:$0x1] =	stream.indirect_vreg.gather [hbm4b:s4+s2], $0x80, v4, vm0, $0xb8;
	[tilespmem:$0x10100] =	vst v63  }
0x47: {  	s8 =	rddreg [dreg:$0xb]  }
0x48: {  	[tilespmem:s8], [sflag:$0x1] =	stream.indirect_vreg.gather [hbm4b:s4+s2], $0x80, v3, vm0, $0xb8;
	[tilespmem:$0x10100] =	vst v63  }
0x49: {  	v3 =	vld [tilespmem:$0x40];
	_ =	sdelay $0x4  }
0x4a: {  	v52 =	vshll.u32 v3, $0x1  }
0x4b: {  	v3 =	vand.u32 $0x7, v3;
	v4 =	vand.u32 $0xFFFFFFF0, v52  }
0x4c: {  	v3 =	vor.u32 v3, v4  }
0x4d: {  	v4 =	vperm.xlane v3, v0;
	_ =	sdelay $0x1  }
0x4e: {  	v3 =	vperm.xlane v3, v2;
	v4 =	vadd.s32 v1, v4;
	_ =	sdelay $0x1  }
0x4f: {  	v3 =	vadd.s32 v1, v3;
	_ =	sdelay $0x1  }
0x50: {  	s0 =	rddreg [dreg:$0xc]  }
0x51: {  	[tilespmem:s0], [sflag:$0x1] =	stream.indirect_vreg.gather [hbm4b:s4+s2], $0x80, v4, vm0, $0xb8;
	[tilespmem:$0x10100] =	vst v63  }
0x52: {  	s8 =	rddreg [dreg:$0xd]  }
0x53: {  	[tilespmem:s8], [sflag:$0x1] =	stream.indirect_vreg.gather [hbm4b:s4+s2], $0x80, v3, vm0, $0xb8;
	[tilespmem:$0x10100] =	vst v63  }
0x54: {  	v3 =	vld [tilespmem:$0x50];
	_ =	sdelay $0x4  }
0x55: {  	v53 =	vshll.u32 v3, $0x1  }
0x56: {  	v3 =	vand.u32 $0x7, v3;
	v4 =	vand.u32 $0xFFFFFFF0, v53  }
0x57: {  	v3 =	vor.u32 v3, v4  }
0x58: {  	v4 =	vperm.xlane v3, v0;
	_ =	sdelay $0x1  }
0x59: {  	v3 =	vperm.xlane v3, v2;
	v4 =	vadd.s32 v1, v4;
	_ =	sdelay $0x1  }
0x5a: {  	v3 =	vadd.s32 v1, v3;
	_ =	sdelay $0x1  }
0x5b: {  	s0 =	rddreg [dreg:$0xe]  }
0x5c: {  	[tilespmem:s0], [sflag:$0x1] =	stream.indirect_vreg.gather [hbm4b:s4+s2], $0x80, v4, vm0, $0xb8;
	[tilespmem:$0x10100] =	vst v63  }
0x5d: {  	s8 =	rddreg [dreg:$0xf]  }
0x5e: {  	[tilespmem:s8], [sflag:$0x1] =	stream.indirect_vreg.gather [hbm4b:s4+s2], $0x80, v3, vm0, $0xb8;
	[tilespmem:$0x10100] =	vst v63  }
0x5f: {  	v3 =	vld [tilespmem:$0x60];
	_ =	sdelay $0x4  }
0x60: {  	v54 =	vshll.u32 v3, $0x1  }
0x61: {  	v3 =	vand.u32 $0x7, v3;
	v4 =	vand.u32 $0xFFFFFFF0, v54  }
0x62: {  	v3 =	vor.u32 v3, v4  }
0x63: {  	v4 =	vperm.xlane v3, v0;
	_ =	sdelay $0x1  }
0x64: {  	v3 =	vperm.xlane v3, v2;
	v4 =	vadd.s32 v1, v4;
	_ =	sdelay $0x1  }
0x65: {  	v3 =	vadd.s32 v1, v3;
	_ =	sdelay $0x1  }
0x66: {  	s8 =	simm.s32 $0x6100  }
0x67: {  	[tilespmem:s8], [sflag:$0x1] =	stream.indirect_vreg.gather [hbm4b:s4+s2], $0x80, v4, vm0, $0xb8;
	[tilespmem:$0x10100] =	vst v63  }
0x68: {  	_ = 	snop  }
0x69: {  	[tilespmem:s9], [sflag:$0x1] =	stream.indirect_vreg.gather [hbm4b:s4+s2], $0x80, v3, vm0, $0xb8;
	[tilespmem:$0x10100] =	vst v63  }
0x6a: {  	v3 =	vld [tilespmem:$0x70];
	_ =	sdelay $0x4  }
0x6b: {  	v55 =	vshll.u32 v3, $0x1  }
0x6c: {  	v3 =	vand.u32 $0x7, v3;
	v4 =	vand.u32 $0xFFFFFFF0, v55  }
0x6d: {  	v3 =	vor.u32 v3, v4  }
0x6e: {  	v4 =	vperm.xlane v3, v0;
	_ =	sdelay $0x1  }
0x6f: {  	v3 =	vperm.xlane v3, v2;
	v4 =	vadd.s32 v1, v4;
	_ =	sdelay $0x1  }
0x70: {  	v3 =	vadd.s32 v1, v3;
	_ =	sdelay $0x2  }
0x71: {  	[tilespmem:s10], [sflag:$0x1] =	stream.indirect_vreg.gather [hbm4b:s4+s2], $0x80, v4, vm0, $0xb8;
	[tilespmem:$0x10100] =	vst v63  }
0x72: {  	_ = 	snop  }
0x73: {  	[tilespmem:s11], [sflag:$0x1] =	stream.indirect_vreg.gather [hbm4b:s4+s2], $0x80, v3, vm0, $0xb8;
	[tilespmem:$0x10100] =	vst v63  }
0x74: {  	v3 =	vld [tilespmem:$0x80];
	_ =	sdelay $0x4  }
0x75: {  	v56 =	vshll.u32 v3, $0x1  }
0x76: {  	v3 =	vand.u32 $0x7, v3;
	v4 =	vand.u32 $0xFFFFFFF0, v56  }
0x77: {  	v3 =	vor.u32 v3, v4  }
0x78: {  	v4 =	vperm.xlane v3, v0;
	_ =	sdelay $0x1  }
0x79: {  	v3 =	vperm.xlane v3, v2;
	v4 =	vadd.s32 v1, v4;
	_ =	sdelay $0x1  }
0x7a: {  	v3 =	vadd.s32 v1, v3;
	_ =	sdelay $0x2  }
0x7b: {  	[tilespmem:s12], [sflag:$0x2] =	stream.indirect_vreg.gather [hbm4b:s4+s2], $0x80, v4, vm0, $0xb8;
	[tilespmem:$0x10100] =	vst v63  }
0x7c: {  	_ = 	snop  }
0x7d: {  	[tilespmem:s13], [sflag:$0x2] =	stream.indirect_vreg.gather [hbm4b:s4+s2], $0x80, v3, vm0, $0xb8;
	[tilespmem:$0x10100] =	vst v63  }
0x7e: {  	v3 =	vld [tilespmem:$0x90];
	_ =	sdelay $0x4  }
0x7f: {  	v57 =	vshll.u32 v3, $0x1  }
0x80: {  	v3 =	vand.u32 $0x7, v3;
	v4 =	vand.u32 $0xFFFFFFF0, v57  }
0x81: {  	v3 =	vor.u32 v3, v4  }
0x82: {  	v4 =	vperm.xlane v3, v0;
	_ =	sdelay $0x1  }
0x83: {  	v3 =	vperm.xlane v3, v2;
	v4 =	vadd.s32 v1, v4;
	_ =	sdelay $0x1  }
0x84: {  	v3 =	vadd.s32 v1, v3;
	_ =	sdelay $0x2  }
0x85: {  	[tilespmem:s14], [sflag:$0x2] =	stream.indirect_vreg.gather [hbm4b:s4+s2], $0x80, v4, vm0, $0xb8;
	[tilespmem:$0x10100] =	vst v63  }
0x86: {  	_ = 	snop  }
0x87: {  	[tilespmem:s15], [sflag:$0x2] =	stream.indirect_vreg.gather [hbm4b:s4+s2], $0x80, v3, vm0, $0xb8;
	[tilespmem:$0x10100] =	vst v63  }
0x88: {  	v3 =	vld [tilespmem:$0xA0];
	_ =	sdelay $0x4  }
0x89: {  	v58 =	vshll.u32 v3, $0x1  }
0x8a: {  	v3 =	vand.u32 $0x7, v3;
	v4 =	vand.u32 $0xFFFFFFF0, v58  }
0x8b: {  	v3 =	vor.u32 v3, v4  }
0x8c: {  	v4 =	vperm.xlane v3, v0;
	_ =	sdelay $0x1  }
0x8d: {  	v3 =	vperm.xlane v3, v2;
	v4 =	vadd.s32 v1, v4;
	_ =	sdelay $0x1  }
0x8e: {  	v3 =	vadd.s32 v1, v3;
	_ =	sdelay $0x2  }
0x8f: {  	[tilespmem:s16], [sflag:$0x2] =	stream.indirect_vreg.gather [hbm4b:s4+s2], $0x80, v4, vm0, $0xb8;
	[tilespmem:$0x10100] =	vst v63  }
0x90: {  	_ = 	snop  }
0x91: {  	[tilespmem:s17], [sflag:$0x2] =	stream.indirect_vreg.gather [hbm4b:s4+s2], $0x80, v3, vm0, $0xb8;
	[tilespmem:$0x10100] =	vst v63  }
0x92: {  	v3 =	vld [tilespmem:$0xB0];
	_ =	sdelay $0x4  }
0x93: {  	v59 =	vshll.u32 v3, $0x1  }
0x94: {  	v3 =	vand.u32 $0x7, v3;
	v4 =	vand.u32 $0xFFFFFFF0, v59  }
0x95: {  	v3 =	vor.u32 v3, v4  }
0x96: {  	v4 =	vperm.xlane v3, v0;
	_ =	sdelay $0x1  }
0x97: {  	v3 =	vperm.xlane v3, v2;
	v4 =	vadd.s32 v1, v4;
	_ =	sdelay $0x1  }
0x98: {  	v3 =	vadd.s32 v1, v3;
	_ =	sdelay $0x2  }
0x99: {  	[tilespmem:s18], [sflag:$0x2] =	stream.indirect_vreg.gather [hbm4b:s4+s2], $0x80, v4, vm0, $0xb8;
	[tilespmem:$0x10100] =	vst v63  }
0x9a: {  	_ = 	snop  }
0x9b: {  	[tilespmem:s19], [sflag:$0x2] =	stream.indirect_vreg.gather [hbm4b:s4+s2], $0x80, v3, vm0, $0xb8;
	[tilespmem:$0x10100] =	vst v63  }
0x9c: {  	v3 =	vld [tilespmem:$0xC0];
	_ =	sdelay $0x4  }
0x9d: {  	v60 =	vshll.u32 v3, $0x1  }
0x9e: {  	v3 =	vand.u32 $0x7, v3;
	v4 =	vand.u32 $0xFFFFFFF0, v60  }
0x9f: {  	v3 =	vor.u32 v3, v4  }
0xa0: {  	v4 =	vperm.xlane v3, v0;
	_ =	sdelay $0x1  }
0xa1: {  	v3 =	vperm.xlane v3, v2;
	v4 =	vadd.s32 v1, v4;
	_ =	sdelay $0x1  }
0xa2: {  	v3 =	vadd.s32 v1, v3;
	_ =	sdelay $0x2  }
0xa3: {  	[tilespmem:s20], [sflag:$0x2] =	stream.indirect_vreg.gather [hbm4b:s4+s2], $0x80, v4, vm0, $0xb8;
	[tilespmem:$0x10100] =	vst v63  }
0xa4: {  	_ = 	snop  }
0xa5: {  	[tilespmem:s21], [sflag:$0x2] =	stream.indirect_vreg.gather [hbm4b:s4+s2], $0x80, v3, vm0, $0xb8;
	[tilespmem:$0x10100] =	vst v63  }
0xa6: {  	v3 =	vld [tilespmem:$0xD0];
	_ =	sdelay $0x4  }
0xa7: {  	v61 =	vshll.u32 v3, $0x1  }
0xa8: {  	v3 =	vand.u32 $0x7, v3;
	v4 =	vand.u32 $0xFFFFFFF0, v61  }
0xa9: {  	v3 =	vor.u32 v3, v4  }
0xaa: {  	v4 =	vperm.xlane v3, v0;
	_ =	sdelay $0x1  }
0xab: {  	v3 =	vperm.xlane v3, v2;
	v4 =	vadd.s32 v1, v4;
	_ =	sdelay $0x1  }
0xac: {  	v3 =	vadd.s32 v1, v3;
	_ =	sdelay $0x2  }
0xad: {  	[tilespmem:s22], [sflag:$0x2] =	stream.indirect_vreg.gather [hbm4b:s4+s2], $0x80, v4, vm0, $0xb8;
	[tilespmem:$0x10100] =	vst v63  }
0xae: {  	_ = 	snop  }
0xaf: {  	[tilespmem:s23], [sflag:$0x2] =	stream.indirect_vreg.gather [hbm4b:s4+s2], $0x80, v3, vm0, $0xb8;
	[tilespmem:$0x10100] =	vst v63  }
0xb0: {  	v3 =	vld [tilespmem:$0xE0];
	_ =	sdelay $0x4  }
0xb1: {  	v62 =	vshll.u32 v3, $0x1  }
0xb2: {  	v3 =	vand.u32 $0x7, v3;
	v4 =	vand.u32 $0xFFFFFFF0, v62  }
0xb3: {  	v3 =	vor.u32 v3, v4  }
0xb4: {  	v4 =	vperm.xlane v3, v0;
	_ =	sdelay $0x1  }
0xb5: {  	v3 =	vperm.xlane v3, v2;
	v4 =	vadd.s32 v1, v4;
	_ =	sdelay $0x1  }
0xb6: {  	v3 =	vadd.s32 v1, v3;
	_ =	sdelay $0x2  }
0xb7: {  	[tilespmem:s24], [sflag:$0x2] =	stream.indirect_vreg.gather [hbm4b:s4+s2], $0x80, v4, vm0, $0xb8;
	[tilespmem:$0x10100] =	vst v63  }
0xb8: {  	_ = 	snop  }
0xb9: {  	[tilespmem:s25], [sflag:$0x2] =	stream.indirect_vreg.gather [hbm4b:s4+s2], $0x80, v3, vm0, $0xb8;
	[tilespmem:$0x10100] =	vst v63  }
0xba: {  	v3 =	vld [tilespmem:$0xF0];
	_ =	sdelay $0x4  }
0xbb: {  	v63 =	vshll.u32 v3, $0x1  }
0xbc: {  	v3 =	vand.u32 $0x7, v3;
	v4 =	vand.u32 $0xFFFFFFF0, v63  }
0xbd: {  	v3 =	vor.u32 v3, v4  }
0xbe: {  	v4 =	vperm.xlane v3, v0;
	_ =	sdelay $0x1  }
0xbf: {  	v3 =	vperm.xlane v3, v2;
	v4 =	vadd.s32 v1, v4;
	_ =	sdelay $0x1  }
0xc0: {  	v3 =	vadd.s32 v1, v3;
	_ =	sdelay $0x2  }
0xc1: {  	[tilespmem:s26], [sflag:$0x2] =	stream.indirect_vreg.gather [hbm4b:s4+s2], $0x80, v4, vm0, $0xb8;
	[tilespmem:$0x10100] =	vst v63  }
0xc2: {  	_ = 	snop  }
0xc3: {  	[tilespmem:s28], [sflag:$0x2] =	stream.indirect_vreg.gather [hbm4b:s4+s2], $0x80, v3, vm0, $0xb8;
	[tilespmem:$0x10100] =	vst v63  }
0xc4: {  	_ =	swait.ge [sflag:s29], $0x8000  }
0xc5: {  	[sflag:s29] =	ssyncset.done $0x0  }
0xc6: {  	[sflag:s29] =	ssyncadd.s32 $0xFFFF8000  }
0xc7: {  	[hbm4b:s3+s2] =	stream.linear.scatter [tilespmem:s7], [sflag:$0x3], $0x8000, $0x38;
	[tilespmem:$0x10100] =	vst v63  }
0xc8: {  	_ =	swait.ge [sflag:s30], $0x8000  }
0xc9: {  	[sflag:s30] =	ssyncset.done $0x0  }
0xca: {  	s8 =	rddreg [dreg:$0x4];
	[sflag:s30] =	ssyncadd.s32 $0xFFFF8000  }
0xcb: {  	[hbm4b:s8+s2] =	stream.linear.scatter [tilespmem:s12], [sflag:$0x4], $0x8000, $0x38;
	[tilespmem:$0x10100] =	vst v63  }
0xcc: {  	p0 =	sne.s32 s5, $0x1;
	_ =	swait.ge [sflag:s31], $0x8000  }
.Ltmp0:
0xcd: {  	[sflag:s31] =	ssyncset.done $0x0;
	(pc) =	sbr.rel @p0 .LBB2_1-.Ltmp0, $4  }
0xce: {  	[sflag:s31] =	ssyncadd.s32 $0xFFFF8000  }
0xcf: {  	_ =	swait.ge [sflag:s1], $0x8000  }
0xd0: {  	[sflag:s1] =	ssyncset.done $0x0  }
0xd1: {  	s5 =	sadd.s32 $0xFFFFFFFF, s5;
	[sflag:s1] =	ssyncadd.s32 $0xFFFF8000  }
0xd2: {  	_ =	sfence.sel $0x180000  }
0xd3: {  	[bflag:$0x0] =	sbarrier.arrive $0xFFFF  }
0xd4: {  	_ =	strace $0x9000004A  }
0xd5: {  	s0 =	stileid.u32;
	[bflag:$0x2] =	sbarrier.arrive $0xFFFF  }
0xd6: {  	p0 =	sne.s32 s0, $0x0;
	s0 =	rddreg [dreg:$0x2]  }
0xd7: {  	s0 =	sadd.s32 @!p0 $0x100000, s0  }
0xd8: {  	[sflag:s0] =	ssyncadd.tile.s32 @!p0 $0x1;
	_ =	shalt  }
.Lfunc_end2:
_tile_overlayer_lowered:
.L_overlay_start_2:
0xd9: {  	(tag) =	ssettag $0x2  }
0xda: {  	s0 =	rddreg [dreg:$0x0];
	s2 =	stileid.u32  }
0xdb: {  	s1 =	rddreg [dreg:$0x1];
	p0 =	sne.s32 s2, $0x0  }
0xdc: {  	s3 =	rddreg [dreg:$0x2];
	[bflag:$0x3] =	sbarrier.arrive $0xFFFF;
	s2 =	simm.s32 @!p0 $0x1C05  }
0xdd: {  	[timem:s3], [sflag:s2] =	dma.local @!p0 [hbm:s0], s1  }
0xde: {  	s0 =	simm.s32 @!p0 $0x5  }
0xdf: {  	_ =	swait.ge @!p0 [sflag:s0], s1  }
0xe0: {  	s1 =	ssub.s32 @!p0 $0x0, s1;
	[sflag:s0] =	ssyncset.done @!p0 $0x0  }
0xe1: {  	[sflag:s0] =	ssyncadd.s32 @!p0 s1  }
0xe2: {  	[bflag:$0x3] =	sbarrier.arrive $0xFFFF  }
0xe3: {  	_ =	shalt  }

</sc_bundles>
